<compile_context>
chip_gen: v7x
topology: tpu7x:2x2x1
jax: 0.10.2.dev20260603
libtpu: 0.0.44.dev20260713+nightly
codegen_flags: <defaults>
</compile_context>

<pallas_src>
import functools

import jax
import jax.numpy as jnp
from jax import lax
from jax.experimental import pallas as pl
from jax.experimental.pallas import tpu as pltpu
from jax.experimental.pallas import tpu_sc as plsc

_C = 19
_BH = 256
_NB = 32


def _stage1_body(x_ref, s1_ref, s2p_ref):
    x0 = x_ref[0, 0]
    m = x0
    s1 = x0
    s2 = x0 * x0
    for c in range(1, _C):
        xc = x_ref[0, c]
        m = jnp.maximum(m, xc)
        s1 = s1 + xc
        s2 = s2 + xc * xc
    pred = jnp.full(m.shape, _C - 1, jnp.int32)
    for c in range(_C - 2, -1, -1):
        pred = jnp.where(x_ref[0, c] == m, c, pred)
    lane = lax.broadcasted_iota(jnp.int32, m.shape, 1)
    idx = pred + (lane & 15) * _NB
    s2_bits = lax.bitcast_convert_type(s2, jnp.int32)
    s1_ref[...] = s1
    s2p_ref[...] = (s2_bits & ~511) | idx


def _stage2_body(s1_hbm, s2p_hbm, out_hbm, s1_v, s2p_v, b0, b1, b2,
                 sem_a, sem_b):
    nc = 2
    wid = lax.axis_index("s") * nc + lax.axis_index("c")
    rows = s1_v.shape[0]
    half = rows // 2
    base = wid * rows
    ca1 = pltpu.async_copy(s1_hbm.at[pl.ds(base, half), :],
                           s1_v.at[pl.ds(0, half), :], sem_a)
    ca2 = pltpu.async_copy(s2p_hbm.at[pl.ds(base, half), :],
                           s2p_v.at[pl.ds(0, half), :], sem_a)
    cb1 = pltpu.async_copy(s1_hbm.at[pl.ds(base + half, half), :],
                           s1_v.at[pl.ds(half, half), :], sem_b)
    cb2 = pltpu.async_copy(s2p_hbm.at[pl.ds(base + half, half), :],
                           s2p_v.at[pl.ds(half, half), :], sem_b)

    zero = jnp.zeros((16,), jnp.float32)
    for k in range(16 * _NB // 16):
        b0[pl.ds(k * 16, 16)] = zero
        b1[pl.ds(k * 16, 16)] = zero
        b2[pl.ds(k * 16, 16)] = zero

    ones = jnp.ones((16,), jnp.float32)
    mask_lo = jnp.full((16,), 511, jnp.int32)
    mask_hi = jnp.full((16,), ~511, jnp.int32)

    def scatter_span(lo, hi):
        @plsc.parallel_loop(lo, hi, 16, unroll=8)
        def _(e):
            av = s1_v[e // 512, pl.ds(e % 512, 16)]
            pv = s2p_v[e // 512, pl.ds(e % 512, 16)]
            iv = pv & mask_lo
            bv = plsc.bitcast(pv & mask_hi, jnp.float32)
            plsc.addupdate_scatter(b0, [iv], ones)
            plsc.addupdate_scatter(b1, [iv], av)
            plsc.addupdate_scatter(b2, [iv], bv)

    ca1.wait()
    ca2.wait()
    scatter_span(0, half * 512)
    cb1.wait()
    cb2.wait()
    scatter_span(half * 512, rows * 512)

    pltpu.sync_copy(b0, out_hbm.at[wid, pl.ds(0, 512)])
    pltpu.sync_copy(b1, out_hbm.at[wid, pl.ds(512, 512)])
    pltpu.sync_copy(b2, out_hbm.at[wid, pl.ds(1024, 512)])


def _fold_lanes(x):
    acc = x[:, 0:_NB]
    for l in range(1, 16):
        acc = acc + x[:, l * _NB : (l + 1) * _NB]
    return acc


def _stage3_body(b_ref, out_ref, *, n):
    total = jnp.zeros((), jnp.float32)
    tiles_per_n = 32 // n
    for nn in range(n):
        s = jnp.sum(b_ref[nn * tiles_per_n : (nn + 1) * tiles_per_n, :], axis=0,
                    keepdims=True)
        cnt = _fold_lanes(s[:, 0:512]) * float(_C)
        s1 = _fold_lanes(s[:, 512:1024])
        s2 = _fold_lanes(s[:, 1024:1536])
        norms = jnp.sqrt(s2 - s1 * s1 / cnt)
        valid = lax.broadcasted_iota(jnp.int32, (1, _NB), 1) < _C
        total = total + jnp.sum(jnp.where(valid, norms, 0.0))
    out_ref[0, 0] = total / n


def kernel(logits, target):
    del target
    n, c, hh, w = logits.shape
    nh = hh // _BH
    s1, s2p = pl.pallas_call(
        _stage1_body,
        grid=(n, nh),
        in_specs=[pl.BlockSpec((1, c, _BH, w), lambda i, j: (i, 0, j, 0))],
        out_specs=[
            pl.BlockSpec((_BH, w), lambda i, j: (i * nh + j, 0)),
            pl.BlockSpec((_BH, w), lambda i, j: (i * nh + j, 0)),
        ],
        out_shape=[
            jax.ShapeDtypeStruct((n * hh, w), jnp.float32),
            jax.ShapeDtypeStruct((n * hh, w), jnp.int32),
        ],
    )(logits)

    rows = n * hh // 32
    stage2 = pl.kernel(
        _stage2_body,
        out_type=jax.ShapeDtypeStruct((32, 3 * 512), jnp.float32),
        mesh=plsc.VectorSubcoreMesh(core_axis_name="c", subcore_axis_name="s"),
        compiler_params=pltpu.CompilerParams(needs_layout_passes=False),
        scratch_types=[
            pltpu.VMEM((rows, w), jnp.float32),
            pltpu.VMEM((rows, w), jnp.int32),
            pltpu.VMEM((16 * _NB,), jnp.float32),
            pltpu.VMEM((16 * _NB,), jnp.float32),
            pltpu.VMEM((16 * _NB,), jnp.float32),
            pltpu.SemaphoreType.DMA,
            pltpu.SemaphoreType.DMA,
        ],
    )
    bins = stage2(s1, s2p)

    out = pl.pallas_call(
        functools.partial(_stage3_body, n=n),
        out_specs=pl.BlockSpec(memory_space=pltpu.SMEM),
        out_shape=jax.ShapeDtypeStruct((1, 1), jnp.float32),
    )(bins)
    return out[0, 0]

# --- scband reference (transcript-rebuilt; emitter-appended) ---
"""Pipeline reference for scband-center-loss-65609920413924 (READ-ONLY COPY).

The authoritative reference and input builder live on the scoring server;
editing this copy changes nothing except your own understanding.
"""

import jax, jax.numpy as jnp
import numpy as np

NCLASS = 19

def setup_inputs(seed: int = 0) -> dict:
    key = jax.random.key(seed)
    k1, k2 = jax.random.split(key)
    logits = jax.random.normal(k1, (4, NCLASS, 512, 512), dtype=jnp.float32)
    target = jax.random.randint(k2, (4, 512, 512), 0, NCLASS)
    return {"logits": logits, "target": target}


def reference(logits, target):
    # Faithful translation of CenterLoss.forward.
    # The original torch code does boolean masking logits[preds == cls].view(N, -1);
    # the intended semantics (per-sample masked vectors with a per-sample prototype)
    # are reproduced here with fixed-shape masked reductions, which give identical
    # math for the mean / prototype / L2-norm since element order is irrelevant.
    N, C, H, W = logits.shape
    probs = jax.nn.softmax(logits, axis=1)
    preds = jnp.argmax(probs, axis=1)            # [N, H, W]
    preds_b = preds[:, None, :, :]               # broadcast over class dim C
    flat = logits.reshape(N, -1)                 # [N, C*H*W]
    center_loss = jnp.float32(0.0)
    for cls in range(NCLASS):
        mask = (preds_b == cls)
        maskf = jnp.broadcast_to(mask, logits.shape).astype(logits.dtype).reshape(N, -1)
        cnt = maskf.sum(axis=1)                  # per-sample count of selected elements
        cls_prototype = (flat * maskf).sum(axis=1) / cnt   # per-sample mean (prototype)
        diff = (flat - cls_prototype[:, None]) * maskf
        cls_norm = jnp.sqrt((diff * diff).sum(axis=1))     # L2 norm over dim 1
        center_loss = center_loss + cls_norm.mean()
    return center_loss

if __name__ == "__main__":
    import jax
    _d = setup_inputs()
    print(jax.jit(kernel)(*tuple(_d.values())))

</pallas_src>

<mosaic_0001>
#map = affine_map<(d0, d1) -> (0, 0)>
module attributes {stable_mosaic.version = 14 : i64} {
  func.func @_stage2_body(%arg0: i32, %arg1: i32, %arg2: memref<2048x512xf32, #tpu.memory_space<hbm>>, %arg3: memref<2048x512xi32, #tpu.memory_space<hbm>>, %arg4: memref<32x1536xf32, #tpu.memory_space<hbm>>, %arg5: memref<64x512xf32, #tpu.memory_space<vmem>>, %arg6: memref<64x512xi32, #tpu.memory_space<vmem>>, %arg7: memref<512xf32, #tpu.memory_space<vmem>>, %arg8: memref<512xf32, #tpu.memory_space<vmem>>, %arg9: memref<512xf32, #tpu.memory_space<vmem>>, %arg10: memref<!tpu.dma_semaphore, #tpu.memory_space<semaphore_mem>>, %arg11: memref<!tpu.dma_semaphore, #tpu.memory_space<semaphore_mem>>) attributes {dimension_semantics = [#tpu.dimension_semantics<core_parallel>, #tpu.dimension_semantics<subcore_parallel>], iteration_bounds = array<i64: 2, 16>, scalar_prefetch = 0 : i64, scratch_operands = 7 : i64, tpu.core_type = #tpu.core_type<sc_vector_subcore>, window_params = [{transform_indices = #map}, {transform_indices = #map}, {transform_indices = #map}]} {
    %mul3A = arith.constant 2 : i32
    %mul3A_0 = arith.muli %arg1, %mul3A : i32
    %add3A = arith.addi %mul3A_0, %arg0 : i32
    %mul3A_1 = arith.constant 64 : i32
    %mul3A_2 = arith.muli %add3A, %mul3A_1 : i32
    %dma_start3A = arith.constant 0 : i32
    %dma_start3A_3 = arith.constant 0 : i32
    %dma_start3A_4 = tpu.memref_slice %arg5[%dma_start3A, %dma_start3A_3] : memref<64x512xf32, #tpu.memory_space<vmem>> -> memref<32x512xf32, #tpu.memory_space<vmem>>
    %dma_start3A_5 = arith.constant 0 : i32
    %dma_start3A_6 = tpu.memref_slice %arg2[%mul3A_2, %dma_start3A_5] : memref<2048x512xf32, #tpu.memory_space<hbm>> -> memref<32x512xf32, #tpu.memory_space<hbm>>
    %dma_start3A_7 = arith.constant 0 : i32
    %dma_start3A_8 = arith.constant 0 : i32
    %dma_start3A_9 = tpu.memref_slice %arg5[%dma_start3A_7, %dma_start3A_8] : memref<64x512xf32, #tpu.memory_space<vmem>> -> memref<32x512xf32, #tpu.memory_space<vmem>>
    %dma_start3A_10 = arith.constant 0 : i32
    %dma_start3A_11 = tpu.memref_slice %arg2[%mul3A_2, %dma_start3A_10] : memref<2048x512xf32, #tpu.memory_space<hbm>> -> memref<32x512xf32, #tpu.memory_space<hbm>>
    tpu.enqueue_dma source(%dma_start3A_11 : memref<32x512xf32, #tpu.memory_space<hbm>>) target(%dma_start3A_9 : memref<32x512xf32, #tpu.memory_space<vmem>>) target_semaphore(%arg10 : memref<!tpu.dma_semaphore, #tpu.memory_space<semaphore_mem>>)
    %dma_start3A_12 = arith.constant 0 : i32
    %dma_start3A_13 = arith.constant 0 : i32
    %dma_start3A_14 = tpu.memref_slice %arg6[%dma_start3A_12, %dma_start3A_13] : memref<64x512xi32, #tpu.memory_space<vmem>> -> memref<32x512xi32, #tpu.memory_space<vmem>>
    %dma_start3A_15 = arith.constant 0 : i32
    %dma_start3A_16 = tpu.memref_slice %arg3[%mul3A_2, %dma_start3A_15] : memref<2048x512xi32, #tpu.memory_space<hbm>> -> memref<32x512xi32, #tpu.memory_space<hbm>>
    %dma_start3A_17 = arith.constant 0 : i32
    %dma_start3A_18 = arith.constant 0 : i32
    %dma_start3A_19 = tpu.memref_slice %arg6[%dma_start3A_17, %dma_start3A_18] : memref<64x512xi32, #tpu.memory_space<vmem>> -> memref<32x512xi32, #tpu.memory_space<vmem>>
    %dma_start3A_20 = arith.constant 0 : i32
    %dma_start3A_21 = tpu.memref_slice %arg3[%mul3A_2, %dma_start3A_20] : memref<2048x512xi32, #tpu.memory_space<hbm>> -> memref<32x512xi32, #tpu.memory_space<hbm>>
    tpu.enqueue_dma source(%dma_start3A_21 : memref<32x512xi32, #tpu.memory_space<hbm>>) target(%dma_start3A_19 : memref<32x512xi32, #tpu.memory_space<vmem>>) target_semaphore(%arg10 : memref<!tpu.dma_semaphore, #tpu.memory_space<semaphore_mem>>)
    %add3A_22 = arith.constant 32 : i32
    %add3A_23 = arith.addi %mul3A_2, %add3A_22 : i32
    %dma_start3A_24 = arith.constant 32 : i32
    %dma_start3A_25 = arith.constant 0 : i32
    %dma_start3A_26 = tpu.memref_slice %arg5[%dma_start3A_24, %dma_start3A_25] : memref<64x512xf32, #tpu.memory_space<vmem>> -> memref<32x512xf32, #tpu.memory_space<vmem>>
    %dma_start3A_27 = arith.constant 0 : i32
    %dma_start3A_28 = tpu.memref_slice %arg2[%add3A_23, %dma_start3A_27] : memref<2048x512xf32, #tpu.memory_space<hbm>> -> memref<32x512xf32, #tpu.memory_space<hbm>>
    %dma_start3A_29 = arith.constant 32 : i32
    %dma_start3A_30 = arith.constant 0 : i32
    %dma_start3A_31 = tpu.memref_slice %arg5[%dma_start3A_29, %dma_start3A_30] : memref<64x512xf32, #tpu.memory_space<vmem>> -> memref<32x512xf32, #tpu.memory_space<vmem>>
    %dma_start3A_32 = arith.constant 0 : i32
    %dma_start3A_33 = tpu.memref_slice %arg2[%add3A_23, %dma_start3A_32] : memref<2048x512xf32, #tpu.memory_space<hbm>> -> memref<32x512xf32, #tpu.memory_space<hbm>>
    tpu.enqueue_dma source(%dma_start3A_33 : memref<32x512xf32, #tpu.memory_space<hbm>>) target(%dma_start3A_31 : memref<32x512xf32, #tpu.memory_space<vmem>>) target_semaphore(%arg11 : memref<!tpu.dma_semaphore, #tpu.memory_space<semaphore_mem>>)
    %add3A_34 = arith.constant 32 : i32
    %add3A_35 = arith.addi %mul3A_2, %add3A_34 : i32
    %dma_start3A_36 = arith.constant 32 : i32
    %dma_start3A_37 = arith.constant 0 : i32
    %dma_start3A_38 = tpu.memref_slice %arg6[%dma_start3A_36, %dma_start3A_37] : memref<64x512xi32, #tpu.memory_space<vmem>> -> memref<32x512xi32, #tpu.memory_space<vmem>>
    %dma_start3A_39 = arith.constant 0 : i32
    %dma_start3A_40 = tpu.memref_slice %arg3[%add3A_35, %dma_start3A_39] : memref<2048x512xi32, #tpu.memory_space<hbm>> -> memref<32x512xi32, #tpu.memory_space<hbm>>
    %dma_start3A_41 = arith.constant 32 : i32
    %dma_start3A_42 = arith.constant 0 : i32
    %dma_start3A_43 = tpu.memref_slice %arg6[%dma_start3A_41, %dma_start3A_42] : memref<64x512xi32, #tpu.memory_space<vmem>> -> memref<32x512xi32, #tpu.memory_space<vmem>>
    %dma_start3A_44 = arith.constant 0 : i32
    %dma_start3A_45 = tpu.memref_slice %arg3[%add3A_35, %dma_start3A_44] : memref<2048x512xi32, #tpu.memory_space<hbm>> -> memref<32x512xi32, #tpu.memory_space<hbm>>
    tpu.enqueue_dma source(%dma_start3A_45 : memref<32x512xi32, #tpu.memory_space<hbm>>) target(%dma_start3A_43 : memref<32x512xi32, #tpu.memory_space<vmem>>) target_semaphore(%arg11 : memref<!tpu.dma_semaphore, #tpu.memory_space<semaphore_mem>>)
    %broadcast_in_dim3A = arith.constant 0.000000e+00 : f32
    %broadcast_in_dim3A_46 = vector.broadcast %broadcast_in_dim3A : f32 to vector<16xf32>
    %swap3A = arith.constant 0 : index
    %swap3A_47 = tpu.vector_load %arg7[%swap3A] {strides = array<i32>} : memref<512xf32, #tpu.memory_space<vmem>>, vector<16xf32>,
    tpu.vector_store %arg7[%swap3A], %broadcast_in_dim3A_46 {strides = array<i32>} : memref<512xf32, #tpu.memory_space<vmem>>, vector<16xf32>,
    %swap3A_48 = arith.constant 0 : index
    %swap3A_49 = tpu.vector_load %arg8[%swap3A_48] {strides = array<i32>} : memref<512xf32, #tpu.memory_space<vmem>>, vector<16xf32>,
    tpu.vector_store %arg8[%swap3A_48], %broadcast_in_dim3A_46 {strides = array<i32>} : memref<512xf32, #tpu.memory_space<vmem>>, vector<16xf32>,
    %swap3A_50 = arith.constant 0 : index
    %swap3A_51 = tpu.vector_load %arg9[%swap3A_50] {strides = array<i32>} : memref<512xf32, #tpu.memory_space<vmem>>, vector<16xf32>,
    tpu.vector_store %arg9[%swap3A_50], %broadcast_in_dim3A_46 {strides = array<i32>} : memref<512xf32, #tpu.memory_space<vmem>>, vector<16xf32>,
    %swap3A_52 = arith.constant 16 : index
    %swap3A_53 = tpu.vector_load %arg7[%swap3A_52] {strides = array<i32>} : memref<512xf32, #tpu.memory_space<vmem>>, vector<16xf32>,
    tpu.vector_store %arg7[%swap3A_52], %broadcast_in_dim3A_46 {strides = array<i32>} : memref<512xf32, #tpu.memory_space<vmem>>, vector<16xf32>,
    %swap3A_54 = arith.constant 16 : index
    %swap3A_55 = tpu.vector_load %arg8[%swap3A_54] {strides = array<i32>} : memref<512xf32, #tpu.memory_space<vmem>>, vector<16xf32>,
    tpu.vector_store %arg8[%swap3A_54], %broadcast_in_dim3A_46 {strides = array<i32>} : memref<512xf32, #tpu.memory_space<vmem>>, vector<16xf32>,
    %swap3A_56 = arith.constant 16 : index
    %swap3A_57 = tpu.vector_load %arg9[%swap3A_56] {strides = array<i32>} : memref<512xf32, #tpu.memory_space<vmem>>, vector<16xf32>,
    tpu.vector_store %arg9[%swap3A_56], %broadcast_in_dim3A_46 {strides = array<i32>} : memref<512xf32, #tpu.memory_space<vmem>>, vector<16xf32>,
    %swap3A_58 = arith.constant 32 : index
    %swap3A_59 = tpu.vector_load %arg7[%swap3A_58] {strides = array<i32>} : memref<512xf32, #tpu.memory_space<vmem>>, vector<16xf32>,
    tpu.vector_store %arg7[%swap3A_58], %broadcast_in_dim3A_46 {strides = array<i32>} : memref<512xf32, #tpu.memory_space<vmem>>, vector<16xf32>,
    %swap3A_60 = arith.constant 32 : index
    %swap3A_61 = tpu.vector_load %arg8[%swap3A_60] {strides = array<i32>} : memref<512xf32, #tpu.memory_space<vmem>>, vector<16xf32>,
    tpu.vector_store %arg8[%swap3A_60], %broadcast_in_dim3A_46 {strides = array<i32>} : memref<512xf32, #tpu.memory_space<vmem>>, vector<16xf32>,
    %swap3A_62 = arith.constant 32 : index
    %swap3A_63 = tpu.vector_load %arg9[%swap3A_62] {strides = array<i32>} : memref<512xf32, #tpu.memory_space<vmem>>, vector<16xf32>,
    tpu.vector_store %arg9[%swap3A_62], %broadcast_in_dim3A_46 {strides = array<i32>} : memref<512xf32, #tpu.memory_space<vmem>>, vector<16xf32>,
    %swap3A_64 = arith.constant 48 : index
    %swap3A_65 = tpu.vector_load %arg7[%swap3A_64] {strides = array<i32>} : memref<512xf32, #tpu.memory_space<vmem>>, vector<16xf32>,
    tpu.vector_store %arg7[%swap3A_64], %broadcast_in_dim3A_46 {strides = array<i32>} : memref<512xf32, #tpu.memory_space<vmem>>, vector<16xf32>,
    %swap3A_66 = arith.constant 48 : index
    %swap3A_67 = tpu.vector_load %arg8[%swap3A_66] {strides = array<i32>} : memref<512xf32, #tpu.memory_space<vmem>>, vector<16xf32>,
    tpu.vector_store %arg8[%swap3A_66], %broadcast_in_dim3A_46 {strides = array<i32>} : memref<512xf32, #tpu.memory_space<vmem>>, vector<16xf32>,
    %swap3A_68 = arith.constant 48 : index
    %swap3A_69 = tpu.vector_load %arg9[%swap3A_68] {strides = array<i32>} : memref<512xf32, #tpu.memory_space<vmem>>, vector<16xf32>,
    tpu.vector_store %arg9[%swap3A_68], %broadcast_in_dim3A_46 {strides = array<i32>} : memref<512xf32, #tpu.memory_space<vmem>>, vector<16xf32>,
    %swap3A_70 = arith.constant 64 : index
    %swap3A_71 = tpu.vector_load %arg7[%swap3A_70] {strides = array<i32>} : memref<512xf32, #tpu.memory_space<vmem>>, vector<16xf32>,
    tpu.vector_store %arg7[%swap3A_70], %broadcast_in_dim3A_46 {strides = array<i32>} : memref<512xf32, #tpu.memory_space<vmem>>, vector<16xf32>,
    %swap3A_72 = arith.constant 64 : index
    %swap3A_73 = tpu.vector_load %arg8[%swap3A_72] {strides = array<i32>} : memref<512xf32, #tpu.memory_space<vmem>>, vector<16xf32>,
    tpu.vector_store %arg8[%swap3A_72], %broadcast_in_dim3A_46 {strides = array<i32>} : memref<512xf32, #tpu.memory_space<vmem>>, vector<16xf32>,
    %swap3A_74 = arith.constant 64 : index
    %swap3A_75 = tpu.vector_load %arg9[%swap3A_74] {strides = array<i32>} : memref<512xf32, #tpu.memory_space<vmem>>, vector<16xf32>,
    tpu.vector_store %arg9[%swap3A_74], %broadcast_in_dim3A_46 {strides = array<i32>} : memref<512xf32, #tpu.memory_space<vmem>>, vector<16xf32>,
    %swap3A_76 = arith.constant 80 : index
    %swap3A_77 = tpu.vector_load %arg7[%swap3A_76] {strides = array<i32>} : memref<512xf32, #tpu.memory_space<vmem>>, vector<16xf32>,
    tpu.vector_store %arg7[%swap3A_76], %broadcast_in_dim3A_46 {strides = array<i32>} : memref<512xf32, #tpu.memory_space<vmem>>, vector<16xf32>,
    %swap3A_78 = arith.constant 80 : index
    %swap3A_79 = tpu.vector_load %arg8[%swap3A_78] {strides = array<i32>} : memref<512xf32, #tpu.memory_space<vmem>>, vector<16xf32>,
    tpu.vector_store %arg8[%swap3A_78], %broadcast_in_dim3A_46 {strides = array<i32>} : memref<512xf32, #tpu.memory_space<vmem>>, vector<16xf32>,
    %swap3A_80 = arith.constant 80 : index
    %swap3A_81 = tpu.vector_load %arg9[%swap3A_80] {strides = array<i32>} : memref<512xf32, #tpu.memory_space<vmem>>, vector<16xf32>,
    tpu.vector_store %arg9[%swap3A_80], %broadcast_in_dim3A_46 {strides = array<i32>} : memref<512xf32, #tpu.memory_space<vmem>>, vector<16xf32>,
    %swap3A_82 = arith.constant 96 : index
    %swap3A_83 = tpu.vector_load %arg7[%swap3A_82] {strides = array<i32>} : memref<512xf32, #tpu.memory_space<vmem>>, vector<16xf32>,
    tpu.vector_store %arg7[%swap3A_82], %broadcast_in_dim3A_46 {strides = array<i32>} : memref<512xf32, #tpu.memory_space<vmem>>, vector<16xf32>,
    %swap3A_84 = arith.constant 96 : index
    %swap3A_85 = tpu.vector_load %arg8[%swap3A_84] {strides = array<i32>} : memref<512xf32, #tpu.memory_space<vmem>>, vector<16xf32>,
    tpu.vector_store %arg8[%swap3A_84], %broadcast_in_dim3A_46 {strides = array<i32>} : memref<512xf32, #tpu.memory_space<vmem>>, vector<16xf32>,
    %swap3A_86 = arith.constant 96 : index
    %swap3A_87 = tpu.vector_load %arg9[%swap3A_86] {strides = array<i32>} : memref<512xf32, #tpu.memory_space<vmem>>, vector<16xf32>,
    tpu.vector_store %arg9[%swap3A_86], %broadcast_in_dim3A_46 {strides = array<i32>} : memref<512xf32, #tpu.memory_space<vmem>>, vector<16xf32>,
    %swap3A_88 = arith.constant 112 : index
    %swap3A_89 = tpu.vector_load %arg7[%swap3A_88] {strides = array<i32>} : memref<512xf32, #tpu.memory_space<vmem>>, vector<16xf32>,
    tpu.vector_store %arg7[%swap3A_88], %broadcast_in_dim3A_46 {strides = array<i32>} : memref<512xf32, #tpu.memory_space<vmem>>, vector<16xf32>,
    %swap3A_90 = arith.constant 112 : index
    %swap3A_91 = tpu.vector_load %arg8[%swap3A_90] {strides = array<i32>} : memref<512xf32, #tpu.memory_space<vmem>>, vector<16xf32>,
    tpu.vector_store %arg8[%swap3A_90], %broadcast_in_dim3A_46 {strides = array<i32>} : memref<512xf32, #tpu.memory_space<vmem>>, vector<16xf32>,
    %swap3A_92 = arith.constant 112 : index
    %swap3A_93 = tpu.vector_load %arg9[%swap3A_92] {strides = array<i32>} : memref<512xf32, #tpu.memory_space<vmem>>, vector<16xf32>,
    tpu.vector_store %arg9[%swap3A_92], %broadcast_in_dim3A_46 {strides = array<i32>} : memref<512xf32, #tpu.memory_space<vmem>>, vector<16xf32>,
    %swap3A_94 = arith.constant 128 : index
    %swap3A_95 = tpu.vector_load %arg7[%swap3A_94] {strides = array<i32>} : memref<512xf32, #tpu.memory_space<vmem>>, vector<16xf32>,
    tpu.vector_store %arg7[%swap3A_94], %broadcast_in_dim3A_46 {strides = array<i32>} : memref<512xf32, #tpu.memory_space<vmem>>, vector<16xf32>,
    %swap3A_96 = arith.constant 128 : index
    %swap3A_97 = tpu.vector_load %arg8[%swap3A_96] {strides = array<i32>} : memref<512xf32, #tpu.memory_space<vmem>>, vector<16xf32>,
    tpu.vector_store %arg8[%swap3A_96], %broadcast_in_dim3A_46 {strides = array<i32>} : memref<512xf32, #tpu.memory_space<vmem>>, vector<16xf32>,
    %swap3A_98 = arith.constant 128 : index
    %swap3A_99 = tpu.vector_load %arg9[%swap3A_98] {strides = array<i32>} : memref<512xf32, #tpu.memory_space<vmem>>, vector<16xf32>,
    tpu.vector_store %arg9[%swap3A_98], %broadcast_in_dim3A_46 {strides = array<i32>} : memref<512xf32, #tpu.memory_space<vmem>>, vector<16xf32>,
    %swap3A_100 = arith.constant 144 : index
    %swap3A_101 = tpu.vector_load %arg7[%swap3A_100] {strides = array<i32>} : memref<512xf32, #tpu.memory_space<vmem>>, vector<16xf32>,
    tpu.vector_store %arg7[%swap3A_100], %broadcast_in_dim3A_46 {strides = array<i32>} : memref<512xf32, #tpu.memory_space<vmem>>, vector<16xf32>,
    %swap3A_102 = arith.constant 144 : index
    %swap3A_103 = tpu.vector_load %arg8[%swap3A_102] {strides = array<i32>} : memref<512xf32, #tpu.memory_space<vmem>>, vector<16xf32>,
    tpu.vector_store %arg8[%swap3A_102], %broadcast_in_dim3A_46 {strides = array<i32>} : memref<512xf32, #tpu.memory_space<vmem>>, vector<16xf32>,
    %swap3A_104 = arith.constant 144 : index
    %swap3A_105 = tpu.vector_load %arg9[%swap3A_104] {strides = array<i32>} : memref<512xf32, #tpu.memory_space<vmem>>, vector<16xf32>,
    tpu.vector_store %arg9[%swap3A_104], %broadcast_in_dim3A_46 {strides = array<i32>} : memref<512xf32, #tpu.memory_space<vmem>>, vector<16xf32>,
    %swap3A_106 = arith.constant 160 : index
    %swap3A_107 = tpu.vector_load %arg7[%swap3A_106] {strides = array<i32>} : memref<512xf32, #tpu.memory_space<vmem>>, vector<16xf32>,
    tpu.vector_store %arg7[%swap3A_106], %broadcast_in_dim3A_46 {strides = array<i32>} : memref<512xf32, #tpu.memory_space<vmem>>, vector<16xf32>,
    %swap3A_108 = arith.constant 160 : index
    %swap3A_109 = tpu.vector_load %arg8[%swap3A_108] {strides = array<i32>} : memref<512xf32, #tpu.memory_space<vmem>>, vector<16xf32>,
    tpu.vector_store %arg8[%swap3A_108], %broadcast_in_dim3A_46 {strides = array<i32>} : memref<512xf32, #tpu.memory_space<vmem>>, vector<16xf32>,
    %swap3A_110 = arith.constant 160 : index
    %swap3A_111 = tpu.vector_load %arg9[%swap3A_110] {strides = array<i32>} : memref<512xf32, #tpu.memory_space<vmem>>, vector<16xf32>,
    tpu.vector_store %arg9[%swap3A_110], %broadcast_in_dim3A_46 {strides = array<i32>} : memref<512xf32, #tpu.memory_space<vmem>>, vector<16xf32>,
    %swap3A_112 = arith.constant 176 : index
    %swap3A_113 = tpu.vector_load %arg7[%swap3A_112] {strides = array<i32>} : memref<512xf32, #tpu.memory_space<vmem>>, vector<16xf32>,
    tpu.vector_store %arg7[%swap3A_112], %broadcast_in_dim3A_46 {strides = array<i32>} : memref<512xf32, #tpu.memory_space<vmem>>, vector<16xf32>,
    %swap3A_114 = arith.constant 176 : index
    %swap3A_115 = tpu.vector_load %arg8[%swap3A_114] {strides = array<i32>} : memref<512xf32, #tpu.memory_space<vmem>>, vector<16xf32>,
    tpu.vector_store %arg8[%swap3A_114], %broadcast_in_dim3A_46 {strides = array<i32>} : memref<512xf32, #tpu.memory_space<vmem>>, vector<16xf32>,
    %swap3A_116 = arith.constant 176 : index
    %swap3A_117 = tpu.vector_load %arg9[%swap3A_116] {strides = array<i32>} : memref<512xf32, #tpu.memory_space<vmem>>, vector<16xf32>,
    tpu.vector_store %arg9[%swap3A_116], %broadcast_in_dim3A_46 {strides = array<i32>} : memref<512xf32, #tpu.memory_space<vmem>>, vector<16xf32>,
    %swap3A_118 = arith.constant 192 : index
    %swap3A_119 = tpu.vector_load %arg7[%swap3A_118] {strides = array<i32>} : memref<512xf32, #tpu.memory_space<vmem>>, vector<16xf32>,
    tpu.vector_store %arg7[%swap3A_118], %broadcast_in_dim3A_46 {strides = array<i32>} : memref<512xf32, #tpu.memory_space<vmem>>, vector<16xf32>,
    %swap3A_120 = arith.constant 192 : index
    %swap3A_121 = tpu.vector_load %arg8[%swap3A_120] {strides = array<i32>} : memref<512xf32, #tpu.memory_space<vmem>>, vector<16xf32>,
    tpu.vector_store %arg8[%swap3A_120], %broadcast_in_dim3A_46 {strides = array<i32>} : memref<512xf32, #tpu.memory_space<vmem>>, vector<16xf32>,
    %swap3A_122 = arith.constant 192 : index
    %swap3A_123 = tpu.vector_load %arg9[%swap3A_122] {strides = array<i32>} : memref<512xf32, #tpu.memory_space<vmem>>, vector<16xf32>,
    tpu.vector_store %arg9[%swap3A_122], %broadcast_in_dim3A_46 {strides = array<i32>} : memref<512xf32, #tpu.memory_space<vmem>>, vector<16xf32>,
    %swap3A_124 = arith.constant 208 : index
    %swap3A_125 = tpu.vector_load %arg7[%swap3A_124] {strides = array<i32>} : memref<512xf32, #tpu.memory_space<vmem>>, vector<16xf32>,
    tpu.vector_store %arg7[%swap3A_124], %broadcast_in_dim3A_46 {strides = array<i32>} : memref<512xf32, #tpu.memory_space<vmem>>, vector<16xf32>,
    %swap3A_126 = arith.constant 208 : index
    %swap3A_127 = tpu.vector_load %arg8[%swap3A_126] {strides = array<i32>} : memref<512xf32, #tpu.memory_space<vmem>>, vector<16xf32>,
    tpu.vector_store %arg8[%swap3A_126], %broadcast_in_dim3A_46 {strides = array<i32>} : memref<512xf32, #tpu.memory_space<vmem>>, vector<16xf32>,
    %swap3A_128 = arith.constant 208 : index
    %swap3A_129 = tpu.vector_load %arg9[%swap3A_128] {strides = array<i32>} : memref<512xf32, #tpu.memory_space<vmem>>, vector<16xf32>,
    tpu.vector_store %arg9[%swap3A_128], %broadcast_in_dim3A_46 {strides = array<i32>} : memref<512xf32, #tpu.memory_space<vmem>>, vector<16xf32>,
    %swap3A_130 = arith.constant 224 : index
    %swap3A_131 = tpu.vector_load %arg7[%swap3A_130] {strides = array<i32>} : memref<512xf32, #tpu.memory_space<vmem>>, vector<16xf32>,
    tpu.vector_store %arg7[%swap3A_130], %broadcast_in_dim3A_46 {strides = array<i32>} : memref<512xf32, #tpu.memory_space<vmem>>, vector<16xf32>,
    %swap3A_132 = arith.constant 224 : index
    %swap3A_133 = tpu.vector_load %arg8[%swap3A_132] {strides = array<i32>} : memref<512xf32, #tpu.memory_space<vmem>>, vector<16xf32>,
    tpu.vector_store %arg8[%swap3A_132], %broadcast_in_dim3A_46 {strides = array<i32>} : memref<512xf32, #tpu.memory_space<vmem>>, vector<16xf32>,
    %swap3A_134 = arith.constant 224 : index
    %swap3A_135 = tpu.vector_load %arg9[%swap3A_134] {strides = array<i32>} : memref<512xf32, #tpu.memory_space<vmem>>, vector<16xf32>,
    tpu.vector_store %arg9[%swap3A_134], %broadcast_in_dim3A_46 {strides = array<i32>} : memref<512xf32, #tpu.memory_space<vmem>>, vector<16xf32>,
    %swap3A_136 = arith.constant 240 : index
    %swap3A_137 = tpu.vector_load %arg7[%swap3A_136] {strides = array<i32>} : memref<512xf32, #tpu.memory_space<vmem>>, vector<16xf32>,
    tpu.vector_store %arg7[%swap3A_136], %broadcast_in_dim3A_46 {strides = array<i32>} : memref<512xf32, #tpu.memory_space<vmem>>, vector<16xf32>,
    %swap3A_138 = arith.constant 240 : index
    %swap3A_139 = tpu.vector_load %arg8[%swap3A_138] {strides = array<i32>} : memref<512xf32, #tpu.memory_space<vmem>>, vector<16xf32>,
    tpu.vector_store %arg8[%swap3A_138], %broadcast_in_dim3A_46 {strides = array<i32>} : memref<512xf32, #tpu.memory_space<vmem>>, vector<16xf32>,
    %swap3A_140 = arith.constant 240 : index
    %swap3A_141 = tpu.vector_load %arg9[%swap3A_140] {strides = array<i32>} : memref<512xf32, #tpu.memory_space<vmem>>, vector<16xf32>,
    tpu.vector_store %arg9[%swap3A_140], %broadcast_in_dim3A_46 {strides = array<i32>} : memref<512xf32, #tpu.memory_space<vmem>>, vector<16xf32>,
    %swap3A_142 = arith.constant 256 : index
    %swap3A_143 = tpu.vector_load %arg7[%swap3A_142] {strides = array<i32>} : memref<512xf32, #tpu.memory_space<vmem>>, vector<16xf32>,
    tpu.vector_store %arg7[%swap3A_142], %broadcast_in_dim3A_46 {strides = array<i32>} : memref<512xf32, #tpu.memory_space<vmem>>, vector<16xf32>,
    %swap3A_144 = arith.constant 256 : index
    %swap3A_145 = tpu.vector_load %arg8[%swap3A_144] {strides = array<i32>} : memref<512xf32, #tpu.memory_space<vmem>>, vector<16xf32>,
    tpu.vector_store %arg8[%swap3A_144], %broadcast_in_dim3A_46 {strides = array<i32>} : memref<512xf32, #tpu.memory_space<vmem>>, vector<16xf32>,
    %swap3A_146 = arith.constant 256 : index
    %swap3A_147 = tpu.vector_load %arg9[%swap3A_146] {strides = array<i32>} : memref<512xf32, #tpu.memory_space<vmem>>, vector<16xf32>,
    tpu.vector_store %arg9[%swap3A_146], %broadcast_in_dim3A_46 {strides = array<i32>} : memref<512xf32, #tpu.memory_space<vmem>>, vector<16xf32>,
    %swap3A_148 = arith.constant 272 : index
    %swap3A_149 = tpu.vector_load %arg7[%swap3A_148] {strides = array<i32>} : memref<512xf32, #tpu.memory_space<vmem>>, vector<16xf32>,
    tpu.vector_store %arg7[%swap3A_148], %broadcast_in_dim3A_46 {strides = array<i32>} : memref<512xf32, #tpu.memory_space<vmem>>, vector<16xf32>,
    %swap3A_150 = arith.constant 272 : index
    %swap3A_151 = tpu.vector_load %arg8[%swap3A_150] {strides = array<i32>} : memref<512xf32, #tpu.memory_space<vmem>>, vector<16xf32>,
    tpu.vector_store %arg8[%swap3A_150], %broadcast_in_dim3A_46 {strides = array<i32>} : memref<512xf32, #tpu.memory_space<vmem>>, vector<16xf32>,
    %swap3A_152 = arith.constant 272 : index
    %swap3A_153 = tpu.vector_load %arg9[%swap3A_152] {strides = array<i32>} : memref<512xf32, #tpu.memory_space<vmem>>, vector<16xf32>,
    tpu.vector_store %arg9[%swap3A_152], %broadcast_in_dim3A_46 {strides = array<i32>} : memref<512xf32, #tpu.memory_space<vmem>>, vector<16xf32>,
    %swap3A_154 = arith.constant 288 : index
    %swap3A_155 = tpu.vector_load %arg7[%swap3A_154] {strides = array<i32>} : memref<512xf32, #tpu.memory_space<vmem>>, vector<16xf32>,
    tpu.vector_store %arg7[%swap3A_154], %broadcast_in_dim3A_46 {strides = array<i32>} : memref<512xf32, #tpu.memory_space<vmem>>, vector<16xf32>,
    %swap3A_156 = arith.constant 288 : index
    %swap3A_157 = tpu.vector_load %arg8[%swap3A_156] {strides = array<i32>} : memref<512xf32, #tpu.memory_space<vmem>>, vector<16xf32>,
    tpu.vector_store %arg8[%swap3A_156], %broadcast_in_dim3A_46 {strides = array<i32>} : memref<512xf32, #tpu.memory_space<vmem>>, vector<16xf32>,
    %swap3A_158 = arith.constant 288 : index
    %swap3A_159 = tpu.vector_load %arg9[%swap3A_158] {strides = array<i32>} : memref<512xf32, #tpu.memory_space<vmem>>, vector<16xf32>,
    tpu.vector_store %arg9[%swap3A_158], %broadcast_in_dim3A_46 {strides = array<i32>} : memref<512xf32, #tpu.memory_space<vmem>>, vector<16xf32>,
    %swap3A_160 = arith.constant 304 : index
    %swap3A_161 = tpu.vector_load %arg7[%swap3A_160] {strides = array<i32>} : memref<512xf32, #tpu.memory_space<vmem>>, vector<16xf32>,
    tpu.vector_store %arg7[%swap3A_160], %broadcast_in_dim3A_46 {strides = array<i32>} : memref<512xf32, #tpu.memory_space<vmem>>, vector<16xf32>,
    %swap3A_162 = arith.constant 304 : index
    %swap3A_163 = tpu.vector_load %arg8[%swap3A_162] {strides = array<i32>} : memref<512xf32, #tpu.memory_space<vmem>>, vector<16xf32>,
    tpu.vector_store %arg8[%swap3A_162], %broadcast_in_dim3A_46 {strides = array<i32>} : memref<512xf32, #tpu.memory_space<vmem>>, vector<16xf32>,
    %swap3A_164 = arith.constant 304 : index
    %swap3A_165 = tpu.vector_load %arg9[%swap3A_164] {strides = array<i32>} : memref<512xf32, #tpu.memory_space<vmem>>, vector<16xf32>,
    tpu.vector_store %arg9[%swap3A_164], %broadcast_in_dim3A_46 {strides = array<i32>} : memref<512xf32, #tpu.memory_space<vmem>>, vector<16xf32>,
    %swap3A_166 = arith.constant 320 : index
    %swap3A_167 = tpu.vector_load %arg7[%swap3A_166] {strides = array<i32>} : memref<512xf32, #tpu.memory_space<vmem>>, vector<16xf32>,
    tpu.vector_store %arg7[%swap3A_166], %broadcast_in_dim3A_46 {strides = array<i32>} : memref<512xf32, #tpu.memory_space<vmem>>, vector<16xf32>,
    %swap3A_168 = arith.constant 320 : index
    %swap3A_169 = tpu.vector_load %arg8[%swap3A_168] {strides = array<i32>} : memref<512xf32, #tpu.memory_space<vmem>>, vector<16xf32>,
    tpu.vector_store %arg8[%swap3A_168], %broadcast_in_dim3A_46 {strides = array<i32>} : memref<512xf32, #tpu.memory_space<vmem>>, vector<16xf32>,
    %swap3A_170 = arith.constant 320 : index
    %swap3A_171 = tpu.vector_load %arg9[%swap3A_170] {strides = array<i32>} : memref<512xf32, #tpu.memory_space<vmem>>, vector<16xf32>,
    tpu.vector_store %arg9[%swap3A_170], %broadcast_in_dim3A_46 {strides = array<i32>} : memref<512xf32, #tpu.memory_space<vmem>>, vector<16xf32>,
    %swap3A_172 = arith.constant 336 : index
    %swap3A_173 = tpu.vector_load %arg7[%swap3A_172] {strides = array<i32>} : memref<512xf32, #tpu.memory_space<vmem>>, vector<16xf32>,
    tpu.vector_store %arg7[%swap3A_172], %broadcast_in_dim3A_46 {strides = array<i32>} : memref<512xf32, #tpu.memory_space<vmem>>, vector<16xf32>,
    %swap3A_174 = arith.constant 336 : index
    %swap3A_175 = tpu.vector_load %arg8[%swap3A_174] {strides = array<i32>} : memref<512xf32, #tpu.memory_space<vmem>>, vector<16xf32>,
    tpu.vector_store %arg8[%swap3A_174], %broadcast_in_dim3A_46 {strides = array<i32>} : memref<512xf32, #tpu.memory_space<vmem>>, vector<16xf32>,
    %swap3A_176 = arith.constant 336 : index
    %swap3A_177 = tpu.vector_load %arg9[%swap3A_176] {strides = array<i32>} : memref<512xf32, #tpu.memory_space<vmem>>, vector<16xf32>,
    tpu.vector_store %arg9[%swap3A_176], %broadcast_in_dim3A_46 {strides = array<i32>} : memref<512xf32, #tpu.memory_space<vmem>>, vector<16xf32>,
    %swap3A_178 = arith.constant 352 : index
    %swap3A_179 = tpu.vector_load %arg7[%swap3A_178] {strides = array<i32>} : memref<512xf32, #tpu.memory_space<vmem>>, vector<16xf32>,
    tpu.vector_store %arg7[%swap3A_178], %broadcast_in_dim3A_46 {strides = array<i32>} : memref<512xf32, #tpu.memory_space<vmem>>, vector<16xf32>,
    %swap3A_180 = arith.constant 352 : index
    %swap3A_181 = tpu.vector_load %arg8[%swap3A_180] {strides = array<i32>} : memref<512xf32, #tpu.memory_space<vmem>>, vector<16xf32>,
    tpu.vector_store %arg8[%swap3A_180], %broadcast_in_dim3A_46 {strides = array<i32>} : memref<512xf32, #tpu.memory_space<vmem>>, vector<16xf32>,
    %swap3A_182 = arith.constant 352 : index
    %swap3A_183 = tpu.vector_load %arg9[%swap3A_182] {strides = array<i32>} : memref<512xf32, #tpu.memory_space<vmem>>, vector<16xf32>,
    tpu.vector_store %arg9[%swap3A_182], %broadcast_in_dim3A_46 {strides = array<i32>} : memref<512xf32, #tpu.memory_space<vmem>>, vector<16xf32>,
    %swap3A_184 = arith.constant 368 : index
    %swap3A_185 = tpu.vector_load %arg7[%swap3A_184] {strides = array<i32>} : memref<512xf32, #tpu.memory_space<vmem>>, vector<16xf32>,
    tpu.vector_store %arg7[%swap3A_184], %broadcast_in_dim3A_46 {strides = array<i32>} : memref<512xf32, #tpu.memory_space<vmem>>, vector<16xf32>,
    %swap3A_186 = arith.constant 368 : index
    %swap3A_187 = tpu.vector_load %arg8[%swap3A_186] {strides = array<i32>} : memref<512xf32, #tpu.memory_space<vmem>>, vector<16xf32>,
    tpu.vector_store %arg8[%swap3A_186], %broadcast_in_dim3A_46 {strides = array<i32>} : memref<512xf32, #tpu.memory_space<vmem>>, vector<16xf32>,
    %swap3A_188 = arith.constant 368 : index
    %swap3A_189 = tpu.vector_load %arg9[%swap3A_188] {strides = array<i32>} : memref<512xf32, #tpu.memory_space<vmem>>, vector<16xf32>,
    tpu.vector_store %arg9[%swap3A_188], %broadcast_in_dim3A_46 {strides = array<i32>} : memref<512xf32, #tpu.memory_space<vmem>>, vector<16xf32>,
    %swap3A_190 = arith.constant 384 : index
    %swap3A_191 = tpu.vector_load %arg7[%swap3A_190] {strides = array<i32>} : memref<512xf32, #tpu.memory_space<vmem>>, vector<16xf32>,
    tpu.vector_store %arg7[%swap3A_190], %broadcast_in_dim3A_46 {strides = array<i32>} : memref<512xf32, #tpu.memory_space<vmem>>, vector<16xf32>,
    %swap3A_192 = arith.constant 384 : index
    %swap3A_193 = tpu.vector_load %arg8[%swap3A_192] {strides = array<i32>} : memref<512xf32, #tpu.memory_space<vmem>>, vector<16xf32>,
    tpu.vector_store %arg8[%swap3A_192], %broadcast_in_dim3A_46 {strides = array<i32>} : memref<512xf32, #tpu.memory_space<vmem>>, vector<16xf32>,
    %swap3A_194 = arith.constant 384 : index
    %swap3A_195 = tpu.vector_load %arg9[%swap3A_194] {strides = array<i32>} : memref<512xf32, #tpu.memory_space<vmem>>, vector<16xf32>,
    tpu.vector_store %arg9[%swap3A_194], %broadcast_in_dim3A_46 {strides = array<i32>} : memref<512xf32, #tpu.memory_space<vmem>>, vector<16xf32>,
    %swap3A_196 = arith.constant 400 : index
    %swap3A_197 = tpu.vector_load %arg7[%swap3A_196] {strides = array<i32>} : memref<512xf32, #tpu.memory_space<vmem>>, vector<16xf32>,
    tpu.vector_store %arg7[%swap3A_196], %broadcast_in_dim3A_46 {strides = array<i32>} : memref<512xf32, #tpu.memory_space<vmem>>, vector<16xf32>,
    %swap3A_198 = arith.constant 400 : index
    %swap3A_199 = tpu.vector_load %arg8[%swap3A_198] {strides = array<i32>} : memref<512xf32, #tpu.memory_space<vmem>>, vector<16xf32>,
    tpu.vector_store %arg8[%swap3A_198], %broadcast_in_dim3A_46 {strides = array<i32>} : memref<512xf32, #tpu.memory_space<vmem>>, vector<16xf32>,
    %swap3A_200 = arith.constant 400 : index
    %swap3A_201 = tpu.vector_load %arg9[%swap3A_200] {strides = array<i32>} : memref<512xf32, #tpu.memory_space<vmem>>, vector<16xf32>,
    tpu.vector_store %arg9[%swap3A_200], %broadcast_in_dim3A_46 {strides = array<i32>} : memref<512xf32, #tpu.memory_space<vmem>>, vector<16xf32>,
    %swap3A_202 = arith.constant 416 : index
    %swap3A_203 = tpu.vector_load %arg7[%swap3A_202] {strides = array<i32>} : memref<512xf32, #tpu.memory_space<vmem>>, vector<16xf32>,
    tpu.vector_store %arg7[%swap3A_202], %broadcast_in_dim3A_46 {strides = array<i32>} : memref<512xf32, #tpu.memory_space<vmem>>, vector<16xf32>,
    %swap3A_204 = arith.constant 416 : index
    %swap3A_205 = tpu.vector_load %arg8[%swap3A_204] {strides = array<i32>} : memref<512xf32, #tpu.memory_space<vmem>>, vector<16xf32>,
    tpu.vector_store %arg8[%swap3A_204], %broadcast_in_dim3A_46 {strides = array<i32>} : memref<512xf32, #tpu.memory_space<vmem>>, vector<16xf32>,
    %swap3A_206 = arith.constant 416 : index
    %swap3A_207 = tpu.vector_load %arg9[%swap3A_206] {strides = array<i32>} : memref<512xf32, #tpu.memory_space<vmem>>, vector<16xf32>,
    tpu.vector_store %arg9[%swap3A_206], %broadcast_in_dim3A_46 {strides = array<i32>} : memref<512xf32, #tpu.memory_space<vmem>>, vector<16xf32>,
    %swap3A_208 = arith.constant 432 : index
    %swap3A_209 = tpu.vector_load %arg7[%swap3A_208] {strides = array<i32>} : memref<512xf32, #tpu.memory_space<vmem>>, vector<16xf32>,
    tpu.vector_store %arg7[%swap3A_208], %broadcast_in_dim3A_46 {strides = array<i32>} : memref<512xf32, #tpu.memory_space<vmem>>, vector<16xf32>,
    %swap3A_210 = arith.constant 432 : index
    %swap3A_211 = tpu.vector_load %arg8[%swap3A_210] {strides = array<i32>} : memref<512xf32, #tpu.memory_space<vmem>>, vector<16xf32>,
    tpu.vector_store %arg8[%swap3A_210], %broadcast_in_dim3A_46 {strides = array<i32>} : memref<512xf32, #tpu.memory_space<vmem>>, vector<16xf32>,
    %swap3A_212 = arith.constant 432 : index
    %swap3A_213 = tpu.vector_load %arg9[%swap3A_212] {strides = array<i32>} : memref<512xf32, #tpu.memory_space<vmem>>, vector<16xf32>,
    tpu.vector_store %arg9[%swap3A_212], %broadcast_in_dim3A_46 {strides = array<i32>} : memref<512xf32, #tpu.memory_space<vmem>>, vector<16xf32>,
    %swap3A_214 = arith.constant 448 : index
    %swap3A_215 = tpu.vector_load %arg7[%swap3A_214] {strides = array<i32>} : memref<512xf32, #tpu.memory_space<vmem>>, vector<16xf32>,
    tpu.vector_store %arg7[%swap3A_214], %broadcast_in_dim3A_46 {strides = array<i32>} : memref<512xf32, #tpu.memory_space<vmem>>, vector<16xf32>,
    %swap3A_216 = arith.constant 448 : index
    %swap3A_217 = tpu.vector_load %arg8[%swap3A_216] {strides = array<i32>} : memref<512xf32, #tpu.memory_space<vmem>>, vector<16xf32>,
    tpu.vector_store %arg8[%swap3A_216], %broadcast_in_dim3A_46 {strides = array<i32>} : memref<512xf32, #tpu.memory_space<vmem>>, vector<16xf32>,
    %swap3A_218 = arith.constant 448 : index
    %swap3A_219 = tpu.vector_load %arg9[%swap3A_218] {strides = array<i32>} : memref<512xf32, #tpu.memory_space<vmem>>, vector<16xf32>,
    tpu.vector_store %arg9[%swap3A_218], %broadcast_in_dim3A_46 {strides = array<i32>} : memref<512xf32, #tpu.memory_space<vmem>>, vector<16xf32>,
    %swap3A_220 = arith.constant 464 : index
    %swap3A_221 = tpu.vector_load %arg7[%swap3A_220] {strides = array<i32>} : memref<512xf32, #tpu.memory_space<vmem>>, vector<16xf32>,
    tpu.vector_store %arg7[%swap3A_220], %broadcast_in_dim3A_46 {strides = array<i32>} : memref<512xf32, #tpu.memory_space<vmem>>, vector<16xf32>,
    %swap3A_222 = arith.constant 464 : index
    %swap3A_223 = tpu.vector_load %arg8[%swap3A_222] {strides = array<i32>} : memref<512xf32, #tpu.memory_space<vmem>>, vector<16xf32>,
    tpu.vector_store %arg8[%swap3A_222], %broadcast_in_dim3A_46 {strides = array<i32>} : memref<512xf32, #tpu.memory_space<vmem>>, vector<16xf32>,
    %swap3A_224 = arith.constant 464 : index
    %swap3A_225 = tpu.vector_load %arg9[%swap3A_224] {strides = array<i32>} : memref<512xf32, #tpu.memory_space<vmem>>, vector<16xf32>,
    tpu.vector_store %arg9[%swap3A_224], %broadcast_in_dim3A_46 {strides = array<i32>} : memref<512xf32, #tpu.memory_space<vmem>>, vector<16xf32>,
    %swap3A_226 = arith.constant 480 : index
    %swap3A_227 = tpu.vector_load %arg7[%swap3A_226] {strides = array<i32>} : memref<512xf32, #tpu.memory_space<vmem>>, vector<16xf32>,
    tpu.vector_store %arg7[%swap3A_226], %broadcast_in_dim3A_46 {strides = array<i32>} : memref<512xf32, #tpu.memory_space<vmem>>, vector<16xf32>,
    %swap3A_228 = arith.constant 480 : index
    %swap3A_229 = tpu.vector_load %arg8[%swap3A_228] {strides = array<i32>} : memref<512xf32, #tpu.memory_space<vmem>>, vector<16xf32>,
    tpu.vector_store %arg8[%swap3A_228], %broadcast_in_dim3A_46 {strides = array<i32>} : memref<512xf32, #tpu.memory_space<vmem>>, vector<16xf32>,
    %swap3A_230 = arith.constant 480 : index
    %swap3A_231 = tpu.vector_load %arg9[%swap3A_230] {strides = array<i32>} : memref<512xf32, #tpu.memory_space<vmem>>, vector<16xf32>,
    tpu.vector_store %arg9[%swap3A_230], %broadcast_in_dim3A_46 {strides = array<i32>} : memref<512xf32, #tpu.memory_space<vmem>>, vector<16xf32>,
    %swap3A_232 = arith.constant 496 : index
    %swap3A_233 = tpu.vector_load %arg7[%swap3A_232] {strides = array<i32>} : memref<512xf32, #tpu.memory_space<vmem>>, vector<16xf32>,
    tpu.vector_store %arg7[%swap3A_232], %broadcast_in_dim3A_46 {strides = array<i32>} : memref<512xf32, #tpu.memory_space<vmem>>, vector<16xf32>,
    %swap3A_234 = arith.constant 496 : index
    %swap3A_235 = tpu.vector_load %arg8[%swap3A_234] {strides = array<i32>} : memref<512xf32, #tpu.memory_space<vmem>>, vector<16xf32>,
    tpu.vector_store %arg8[%swap3A_234], %broadcast_in_dim3A_46 {strides = array<i32>} : memref<512xf32, #tpu.memory_space<vmem>>, vector<16xf32>,
    %swap3A_236 = arith.constant 496 : index
    %swap3A_237 = tpu.vector_load %arg9[%swap3A_236] {strides = array<i32>} : memref<512xf32, #tpu.memory_space<vmem>>, vector<16xf32>,
    tpu.vector_store %arg9[%swap3A_236], %broadcast_in_dim3A_46 {strides = array<i32>} : memref<512xf32, #tpu.memory_space<vmem>>, vector<16xf32>,
    %broadcast_in_dim3A_238 = arith.constant 1.000000e+00 : f32
    %broadcast_in_dim3A_239 = vector.broadcast %broadcast_in_dim3A_238 : f32 to vector<16xf32>
    %broadcast_in_dim3A_240 = arith.constant 511 : i32
    %broadcast_in_dim3A_241 = vector.broadcast %broadcast_in_dim3A_240 : i32 to vector<16xi32>
    %broadcast_in_dim3A_242 = arith.constant -512 : i32
    %broadcast_in_dim3A_243 = vector.broadcast %broadcast_in_dim3A_242 : i32 to vector<16xi32>
    %dma_wait3A = arith.constant 0 : i32
    %dma_wait3A_244 = arith.constant 0 : i32
    %dma_wait3A_245 = tpu.memref_slice %arg5[%dma_wait3A, %dma_wait3A_244] : memref<64x512xf32, #tpu.memory_space<vmem>> -> memref<32x512xf32, #tpu.memory_space<vmem>>
    %dma_wait3A_246 = arith.constant 0 : i32
    %dma_wait3A_247 = tpu.memref_slice %arg2[%mul3A_2, %dma_wait3A_246] : memref<2048x512xf32, #tpu.memory_space<hbm>> -> memref<32x512xf32, #tpu.memory_space<hbm>>
    %dma_wait3A_248 = arith.constant 0 : i32
    %dma_wait3A_249 = arith.constant 0 : i32
    %dma_wait3A_250 = tpu.memref_slice %arg5[%dma_wait3A_248, %dma_wait3A_249] : memref<64x512xf32, #tpu.memory_space<vmem>> -> memref<32x512xf32, #tpu.memory_space<vmem>>
    %dma_wait3A_251 = arith.constant 0 : i32
    %dma_wait3A_252 = tpu.memref_slice %arg2[%mul3A_2, %dma_wait3A_251] : memref<2048x512xf32, #tpu.memory_space<hbm>> -> memref<32x512xf32, #tpu.memory_space<hbm>>
    tpu.wait_dma2 semaphore(%arg10 : memref<!tpu.dma_semaphore, #tpu.memory_space<semaphore_mem>>) src(%dma_wait3A_252 : memref<32x512xf32, #tpu.memory_space<hbm>>) dst(%dma_wait3A_250 : memref<32x512xf32, #tpu.memory_space<vmem>>)
    %dma_wait3A_253 = arith.constant 0 : i32
    %dma_wait3A_254 = arith.constant 0 : i32
    %dma_wait3A_255 = tpu.memref_slice %arg6[%dma_wait3A_253, %dma_wait3A_254] : memref<64x512xi32, #tpu.memory_space<vmem>> -> memref<32x512xi32, #tpu.memory_space<vmem>>
    %dma_wait3A_256 = arith.constant 0 : i32
    %dma_wait3A_257 = tpu.memref_slice %arg3[%mul3A_2, %dma_wait3A_256] : memref<2048x512xi32, #tpu.memory_space<hbm>> -> memref<32x512xi32, #tpu.memory_space<hbm>>
    %dma_wait3A_258 = arith.constant 0 : i32
    %dma_wait3A_259 = arith.constant 0 : i32
    %dma_wait3A_260 = tpu.memref_slice %arg6[%dma_wait3A_258, %dma_wait3A_259] : memref<64x512xi32, #tpu.memory_space<vmem>> -> memref<32x512xi32, #tpu.memory_space<vmem>>
    %dma_wait3A_261 = arith.constant 0 : i32
    %dma_wait3A_262 = tpu.memref_slice %arg3[%mul3A_2, %dma_wait3A_261] : memref<2048x512xi32, #tpu.memory_space<hbm>> -> memref<32x512xi32, #tpu.memory_space<hbm>>
    tpu.wait_dma2 semaphore(%arg10 : memref<!tpu.dma_semaphore, #tpu.memory_space<semaphore_mem>>) src(%dma_wait3A_262 : memref<32x512xi32, #tpu.memory_space<hbm>>) dst(%dma_wait3A_260 : memref<32x512xi32, #tpu.memory_space<vmem>>)
    %parallel_loop3A = arith.constant 0 : i32
    %parallel_loop3A_263 = arith.constant 16384 : i32
    %parallel_loop3A_264 = arith.constant 16 : i32
    scf.for %parallel_loop3A_288 = %parallel_loop3A to %parallel_loop3A_263 step %parallel_loop3A_264  : i32 {
      %parallel_loop3A_289 = arith.constant 512 : i32
      %parallel_loop3A_290 = arith.divsi %parallel_loop3A_288, %parallel_loop3A_289 : i32
      %parallel_loop3A_291 = arith.constant 0 : i32
      %parallel_loop3A_292 = arith.cmpi sgt, %parallel_loop3A_288, %parallel_loop3A_291 : i32
      %parallel_loop3A_293 = arith.extui %parallel_loop3A_292 : i1 to i32
      %parallel_loop3A_294 = arith.constant 0 : i32
      %parallel_loop3A_295 = arith.cmpi slt, %parallel_loop3A_288, %parallel_loop3A_294 : i32
      %parallel_loop3A_296 = arith.extui %parallel_loop3A_295 : i1 to i32
      %parallel_loop3A_297 = arith.subi %parallel_loop3A_293, %parallel_loop3A_296 : i32
      %parallel_loop3A_298 = arith.constant 0 : i32
      %parallel_loop3A_299 = arith.cmpi sgt, %parallel_loop3A_289, %parallel_loop3A_298 : i32
      %parallel_loop3A_300 = arith.extui %parallel_loop3A_299 : i1 to i32
      %parallel_loop3A_301 = arith.constant 0 : i32
      %parallel_loop3A_302 = arith.cmpi slt, %parallel_loop3A_289, %parallel_loop3A_301 : i32
      %parallel_loop3A_303 = arith.extui %parallel_loop3A_302 : i1 to i32
      %parallel_loop3A_304 = arith.subi %parallel_loop3A_300, %parallel_loop3A_303 : i32
      %parallel_loop3A_305 = arith.cmpi ne, %parallel_loop3A_297, %parallel_loop3A_304 : i32
      %parallel_loop3A_306 = arith.remsi %parallel_loop3A_288, %parallel_loop3A_289 : i32
      %parallel_loop3A_307 = arith.constant 0 : i32
      %parallel_loop3A_308 = arith.cmpi ne, %parallel_loop3A_306, %parallel_loop3A_307 : i32
      %parallel_loop3A_309 = arith.andi %parallel_loop3A_305, %parallel_loop3A_308 : i1
      %parallel_loop3A_310 = arith.constant 1 : i32
      %parallel_loop3A_311 = arith.subi %parallel_loop3A_290, %parallel_loop3A_310 : i32
      %parallel_loop3A_312 = arith.select %parallel_loop3A_309, %parallel_loop3A_311, %parallel_loop3A_290 : i32
      %parallel_loop3A_313 = arith.constant 512 : i32
      %parallel_loop3A_314 = arith.constant 0 : i32
      %parallel_loop3A_315 = arith.cmpi eq, %parallel_loop3A_313, %parallel_loop3A_314 : i32
      %parallel_loop3A_316 = arith.constant 1 : i32
      %parallel_loop3A_317 = arith.select %parallel_loop3A_315, %parallel_loop3A_316, %parallel_loop3A_313 : i32
      %parallel_loop3A_318 = arith.remsi %parallel_loop3A_288, %parallel_loop3A_317 : i32
      %parallel_loop3A_319 = arith.constant 0 : i32
      %parallel_loop3A_320 = arith.cmpi ne, %parallel_loop3A_318, %parallel_loop3A_319 : i32
      %parallel_loop3A_321 = arith.constant 0 : i32
      %parallel_loop3A_322 = arith.cmpi slt, %parallel_loop3A_318, %parallel_loop3A_321 : i32
      %parallel_loop3A_323 = arith.constant 0 : i32
      %parallel_loop3A_324 = arith.cmpi slt, %parallel_loop3A_317, %parallel_loop3A_323 : i32
      %parallel_loop3A_325 = arith.xori %parallel_loop3A_322, %parallel_loop3A_324 : i1
      %parallel_loop3A_326 = arith.andi %parallel_loop3A_325, %parallel_loop3A_320 : i1
      %parallel_loop3A_327 = arith.addi %parallel_loop3A_318, %parallel_loop3A_317 : i32
      %parallel_loop3A_328 = arith.select %parallel_loop3A_326, %parallel_loop3A_327, %parallel_loop3A_318 : i32
      %parallel_loop3A_329 = arith.index_cast %parallel_loop3A_312 : i32 to index
      %parallel_loop3A_330 = arith.index_cast %parallel_loop3A_328 : i32 to index
      %parallel_loop3A_331 = tpu.vector_load %arg5[%parallel_loop3A_329, %parallel_loop3A_330] {strides = array<i32>} : memref<64x512xf32, #tpu.memory_space<vmem>>, vector<16xf32>,
      %parallel_loop3A_332 = arith.constant 512 : i32
      %parallel_loop3A_333 = arith.divsi %parallel_loop3A_288, %parallel_loop3A_332 : i32
      %parallel_loop3A_334 = arith.constant 0 : i32
      %parallel_loop3A_335 = arith.cmpi sgt, %parallel_loop3A_288, %parallel_loop3A_334 : i32
      %parallel_loop3A_336 = arith.extui %parallel_loop3A_335 : i1 to i32
      %parallel_loop3A_337 = arith.constant 0 : i32
      %parallel_loop3A_338 = arith.cmpi slt, %parallel_loop3A_288, %parallel_loop3A_337 : i32
      %parallel_loop3A_339 = arith.extui %parallel_loop3A_338 : i1 to i32
      %parallel_loop3A_340 = arith.subi %parallel_loop3A_336, %parallel_loop3A_339 : i32
      %parallel_loop3A_341 = arith.constant 0 : i32
      %parallel_loop3A_342 = arith.cmpi sgt, %parallel_loop3A_332, %parallel_loop3A_341 : i32
      %parallel_loop3A_343 = arith.extui %parallel_loop3A_342 : i1 to i32
      %parallel_loop3A_344 = arith.constant 0 : i32
      %parallel_loop3A_345 = arith.cmpi slt, %parallel_loop3A_332, %parallel_loop3A_344 : i32
      %parallel_loop3A_346 = arith.extui %parallel_loop3A_345 : i1 to i32
      %parallel_loop3A_347 = arith.subi %parallel_loop3A_343, %parallel_loop3A_346 : i32
      %parallel_loop3A_348 = arith.cmpi ne, %parallel_loop3A_340, %parallel_loop3A_347 : i32
      %parallel_loop3A_349 = arith.remsi %parallel_loop3A_288, %parallel_loop3A_332 : i32
      %parallel_loop3A_350 = arith.constant 0 : i32
      %parallel_loop3A_351 = arith.cmpi ne, %parallel_loop3A_349, %parallel_loop3A_350 : i32
      %parallel_loop3A_352 = arith.andi %parallel_loop3A_348, %parallel_loop3A_351 : i1
      %parallel_loop3A_353 = arith.constant 1 : i32
      %parallel_loop3A_354 = arith.subi %parallel_loop3A_333, %parallel_loop3A_353 : i32
      %parallel_loop3A_355 = arith.select %parallel_loop3A_352, %parallel_loop3A_354, %parallel_loop3A_333 : i32
      %parallel_loop3A_356 = arith.constant 512 : i32
      %parallel_loop3A_357 = arith.constant 0 : i32
      %parallel_loop3A_358 = arith.cmpi eq, %parallel_loop3A_356, %parallel_loop3A_357 : i32
      %parallel_loop3A_359 = arith.constant 1 : i32
      %parallel_loop3A_360 = arith.select %parallel_loop3A_358, %parallel_loop3A_359, %parallel_loop3A_356 : i32
      %parallel_loop3A_361 = arith.remsi %parallel_loop3A_288, %parallel_loop3A_360 : i32
      %parallel_loop3A_362 = arith.constant 0 : i32
      %parallel_loop3A_363 = arith.cmpi ne, %parallel_loop3A_361, %parallel_loop3A_362 : i32
      %parallel_loop3A_364 = arith.constant 0 : i32
      %parallel_loop3A_365 = arith.cmpi slt, %parallel_loop3A_361, %parallel_loop3A_364 : i32
      %parallel_loop3A_366 = arith.constant 0 : i32
      %parallel_loop3A_367 = arith.cmpi slt, %parallel_loop3A_360, %parallel_loop3A_366 : i32
      %parallel_loop3A_368 = arith.xori %parallel_loop3A_365, %parallel_loop3A_367 : i1
      %parallel_loop3A_369 = arith.andi %parallel_loop3A_368, %parallel_loop3A_363 : i1
      %parallel_loop3A_370 = arith.addi %parallel_loop3A_361, %parallel_loop3A_360 : i32
      %parallel_loop3A_371 = arith.select %parallel_loop3A_369, %parallel_loop3A_370, %parallel_loop3A_361 : i32
      %parallel_loop3A_372 = arith.index_cast %parallel_loop3A_355 : i32 to index
      %parallel_loop3A_373 = arith.index_cast %parallel_loop3A_371 : i32 to index
      %parallel_loop3A_374 = tpu.vector_load %arg6[%parallel_loop3A_372, %parallel_loop3A_373] {strides = array<i32>} : memref<64x512xi32, #tpu.memory_space<vmem>>, vector<16xi32>,
      %parallel_loop3A_375 = arith.andi %parallel_loop3A_374, %broadcast_in_dim3A_241 : vector<16xi32>
      %parallel_loop3A_376 = arith.andi %parallel_loop3A_374, %broadcast_in_dim3A_243 : vector<16xi32>
      %parallel_loop3A_377 = vector.bitcast %parallel_loop3A_376 : vector<16xi32> to vector<16xf32>
      tpu.vector_store_idx %arg7[%parallel_loop3A_375], %broadcast_in_dim3A_239 {add = true} : memref<512xf32, #tpu.memory_space<vmem>>[vector<16xi32>], vector<16xf32>,
      tpu.vector_store_idx %arg8[%parallel_loop3A_375], %parallel_loop3A_331 {add = true} : memref<512xf32, #tpu.memory_space<vmem>>[vector<16xi32>], vector<16xf32>,
      tpu.vector_store_idx %arg9[%parallel_loop3A_375], %parallel_loop3A_377 {add = true} : memref<512xf32, #tpu.memory_space<vmem>>[vector<16xi32>], vector<16xf32>,
    } {sc.loop_unroll_factor = 8 : i64, sc.parallel_access}
    %dma_wait3A_265 = arith.constant 32 : i32
    %dma_wait3A_266 = arith.constant 0 : i32
    %dma_wait3A_267 = tpu.memref_slice %arg5[%dma_wait3A_265, %dma_wait3A_266] : memref<64x512xf32, #tpu.memory_space<vmem>> -> memref<32x512xf32, #tpu.memory_space<vmem>>
    %dma_wait3A_268 = arith.constant 0 : i32
    %dma_wait3A_269 = tpu.memref_slice %arg2[%add3A_23, %dma_wait3A_268] : memref<2048x512xf32, #tpu.memory_space<hbm>> -> memref<32x512xf32, #tpu.memory_space<hbm>>
    %dma_wait3A_270 = arith.constant 32 : i32
    %dma_wait3A_271 = arith.constant 0 : i32
    %dma_wait3A_272 = tpu.memref_slice %arg5[%dma_wait3A_270, %dma_wait3A_271] : memref<64x512xf32, #tpu.memory_space<vmem>> -> memref<32x512xf32, #tpu.memory_space<vmem>>
    %dma_wait3A_273 = arith.constant 0 : i32
    %dma_wait3A_274 = tpu.memref_slice %arg2[%add3A_23, %dma_wait3A_273] : memref<2048x512xf32, #tpu.memory_space<hbm>> -> memref<32x512xf32, #tpu.memory_space<hbm>>
    tpu.wait_dma2 semaphore(%arg11 : memref<!tpu.dma_semaphore, #tpu.memory_space<semaphore_mem>>) src(%dma_wait3A_274 : memref<32x512xf32, #tpu.memory_space<hbm>>) dst(%dma_wait3A_272 : memref<32x512xf32, #tpu.memory_space<vmem>>)
    %dma_wait3A_275 = arith.constant 32 : i32
    %dma_wait3A_276 = arith.constant 0 : i32
    %dma_wait3A_277 = tpu.memref_slice %arg6[%dma_wait3A_275, %dma_wait3A_276] : memref<64x512xi32, #tpu.memory_space<vmem>> -> memref<32x512xi32, #tpu.memory_space<vmem>>
    %dma_wait3A_278 = arith.constant 0 : i32
    %dma_wait3A_279 = tpu.memref_slice %arg3[%add3A_35, %dma_wait3A_278] : memref<2048x512xi32, #tpu.memory_space<hbm>> -> memref<32x512xi32, #tpu.memory_space<hbm>>
    %dma_wait3A_280 = arith.constant 32 : i32
    %dma_wait3A_281 = arith.constant 0 : i32
    %dma_wait3A_282 = tpu.memref_slice %arg6[%dma_wait3A_280, %dma_wait3A_281] : memref<64x512xi32, #tpu.memory_space<vmem>> -> memref<32x512xi32, #tpu.memory_space<vmem>>
    %dma_wait3A_283 = arith.constant 0 : i32
    %dma_wait3A_284 = tpu.memref_slice %arg3[%add3A_35, %dma_wait3A_283] : memref<2048x512xi32, #tpu.memory_space<hbm>> -> memref<32x512xi32, #tpu.memory_space<hbm>>
    tpu.wait_dma2 semaphore(%arg11 : memref<!tpu.dma_semaphore, #tpu.memory_space<semaphore_mem>>) src(%dma_wait3A_284 : memref<32x512xi32, #tpu.memory_space<hbm>>) dst(%dma_wait3A_282 : memref<32x512xi32, #tpu.memory_space<vmem>>)
    %parallel_loop3A_285 = arith.constant 16384 : i32
    %parallel_loop3A_286 = arith.constant 32768 : i32
    %parallel_loop3A_287 = arith.constant 16 : i32
    scf.for %parallel_loop3A_288 = %parallel_loop3A_285 to %parallel_loop3A_286 step %parallel_loop3A_287  : i32 {
      %parallel_loop3A_289 = arith.constant 512 : i32
      %parallel_loop3A_290 = arith.divsi %parallel_loop3A_288, %parallel_loop3A_289 : i32
      %parallel_loop3A_291 = arith.constant 0 : i32
      %parallel_loop3A_292 = arith.cmpi sgt, %parallel_loop3A_288, %parallel_loop3A_291 : i32
      %parallel_loop3A_293 = arith.extui %parallel_loop3A_292 : i1 to i32
      %parallel_loop3A_294 = arith.constant 0 : i32
      %parallel_loop3A_295 = arith.cmpi slt, %parallel_loop3A_288, %parallel_loop3A_294 : i32
      %parallel_loop3A_296 = arith.extui %parallel_loop3A_295 : i1 to i32
      %parallel_loop3A_297 = arith.subi %parallel_loop3A_293, %parallel_loop3A_296 : i32
      %parallel_loop3A_298 = arith.constant 0 : i32
      %parallel_loop3A_299 = arith.cmpi sgt, %parallel_loop3A_289, %parallel_loop3A_298 : i32
      %parallel_loop3A_300 = arith.extui %parallel_loop3A_299 : i1 to i32
      %parallel_loop3A_301 = arith.constant 0 : i32
      %parallel_loop3A_302 = arith.cmpi slt, %parallel_loop3A_289, %parallel_loop3A_301 : i32
      %parallel_loop3A_303 = arith.extui %parallel_loop3A_302 : i1 to i32
      %parallel_loop3A_304 = arith.subi %parallel_loop3A_300, %parallel_loop3A_303 : i32
      %parallel_loop3A_305 = arith.cmpi ne, %parallel_loop3A_297, %parallel_loop3A_304 : i32
      %parallel_loop3A_306 = arith.remsi %parallel_loop3A_288, %parallel_loop3A_289 : i32
      %parallel_loop3A_307 = arith.constant 0 : i32
      %parallel_loop3A_308 = arith.cmpi ne, %parallel_loop3A_306, %parallel_loop3A_307 : i32
      %parallel_loop3A_309 = arith.andi %parallel_loop3A_305, %parallel_loop3A_308 : i1
      %parallel_loop3A_310 = arith.constant 1 : i32
      %parallel_loop3A_311 = arith.subi %parallel_loop3A_290, %parallel_loop3A_310 : i32
      %parallel_loop3A_312 = arith.select %parallel_loop3A_309, %parallel_loop3A_311, %parallel_loop3A_290 : i32
      %parallel_loop3A_313 = arith.constant 512 : i32
      %parallel_loop3A_314 = arith.constant 0 : i32
      %parallel_loop3A_315 = arith.cmpi eq, %parallel_loop3A_313, %parallel_loop3A_314 : i32
      %parallel_loop3A_316 = arith.constant 1 : i32
      %parallel_loop3A_317 = arith.select %parallel_loop3A_315, %parallel_loop3A_316, %parallel_loop3A_313 : i32
      %parallel_loop3A_318 = arith.remsi %parallel_loop3A_288, %parallel_loop3A_317 : i32
      %parallel_loop3A_319 = arith.constant 0 : i32
      %parallel_loop3A_320 = arith.cmpi ne, %parallel_loop3A_318, %parallel_loop3A_319 : i32
      %parallel_loop3A_321 = arith.constant 0 : i32
      %parallel_loop3A_322 = arith.cmpi slt, %parallel_loop3A_318, %parallel_loop3A_321 : i32
      %parallel_loop3A_323 = arith.constant 0 : i32
      %parallel_loop3A_324 = arith.cmpi slt, %parallel_loop3A_317, %parallel_loop3A_323 : i32
      %parallel_loop3A_325 = arith.xori %parallel_loop3A_322, %parallel_loop3A_324 : i1
      %parallel_loop3A_326 = arith.andi %parallel_loop3A_325, %parallel_loop3A_320 : i1
      %parallel_loop3A_327 = arith.addi %parallel_loop3A_318, %parallel_loop3A_317 : i32
      %parallel_loop3A_328 = arith.select %parallel_loop3A_326, %parallel_loop3A_327, %parallel_loop3A_318 : i32
      %parallel_loop3A_329 = arith.index_cast %parallel_loop3A_312 : i32 to index
      %parallel_loop3A_330 = arith.index_cast %parallel_loop3A_328 : i32 to index
      %parallel_loop3A_331 = tpu.vector_load %arg5[%parallel_loop3A_329, %parallel_loop3A_330] {strides = array<i32>} : memref<64x512xf32, #tpu.memory_space<vmem>>, vector<16xf32>,
      %parallel_loop3A_332 = arith.constant 512 : i32
      %parallel_loop3A_333 = arith.divsi %parallel_loop3A_288, %parallel_loop3A_332 : i32
      %parallel_loop3A_334 = arith.constant 0 : i32
      %parallel_loop3A_335 = arith.cmpi sgt, %parallel_loop3A_288, %parallel_loop3A_334 : i32
      %parallel_loop3A_336 = arith.extui %parallel_loop3A_335 : i1 to i32
      %parallel_loop3A_337 = arith.constant 0 : i32
      %parallel_loop3A_338 = arith.cmpi slt, %parallel_loop3A_288, %parallel_loop3A_337 : i32
      %parallel_loop3A_339 = arith.extui %parallel_loop3A_338 : i1 to i32
      %parallel_loop3A_340 = arith.subi %parallel_loop3A_336, %parallel_loop3A_339 : i32
      %parallel_loop3A_341 = arith.constant 0 : i32
      %parallel_loop3A_342 = arith.cmpi sgt, %parallel_loop3A_332, %parallel_loop3A_341 : i32
      %parallel_loop3A_343 = arith.extui %parallel_loop3A_342 : i1 to i32
      %parallel_loop3A_344 = arith.constant 0 : i32
      %parallel_loop3A_345 = arith.cmpi slt, %parallel_loop3A_332, %parallel_loop3A_344 : i32
      %parallel_loop3A_346 = arith.extui %parallel_loop3A_345 : i1 to i32
      %parallel_loop3A_347 = arith.subi %parallel_loop3A_343, %parallel_loop3A_346 : i32
      %parallel_loop3A_348 = arith.cmpi ne, %parallel_loop3A_340, %parallel_loop3A_347 : i32
      %parallel_loop3A_349 = arith.remsi %parallel_loop3A_288, %parallel_loop3A_332 : i32
      %parallel_loop3A_350 = arith.constant 0 : i32
      %parallel_loop3A_351 = arith.cmpi ne, %parallel_loop3A_349, %parallel_loop3A_350 : i32
      %parallel_loop3A_352 = arith.andi %parallel_loop3A_348, %parallel_loop3A_351 : i1
      %parallel_loop3A_353 = arith.constant 1 : i32
      %parallel_loop3A_354 = arith.subi %parallel_loop3A_333, %parallel_loop3A_353 : i32
      %parallel_loop3A_355 = arith.select %parallel_loop3A_352, %parallel_loop3A_354, %parallel_loop3A_333 : i32
      %parallel_loop3A_356 = arith.constant 512 : i32
      %parallel_loop3A_357 = arith.constant 0 : i32
      %parallel_loop3A_358 = arith.cmpi eq, %parallel_loop3A_356, %parallel_loop3A_357 : i32
      %parallel_loop3A_359 = arith.constant 1 : i32
      %parallel_loop3A_360 = arith.select %parallel_loop3A_358, %parallel_loop3A_359, %parallel_loop3A_356 : i32
      %parallel_loop3A_361 = arith.remsi %parallel_loop3A_288, %parallel_loop3A_360 : i32
      %parallel_loop3A_362 = arith.constant 0 : i32
      %parallel_loop3A_363 = arith.cmpi ne, %parallel_loop3A_361, %parallel_loop3A_362 : i32
      %parallel_loop3A_364 = arith.constant 0 : i32
      %parallel_loop3A_365 = arith.cmpi slt, %parallel_loop3A_361, %parallel_loop3A_364 : i32
      %parallel_loop3A_366 = arith.constant 0 : i32
      %parallel_loop3A_367 = arith.cmpi slt, %parallel_loop3A_360, %parallel_loop3A_366 : i32
      %parallel_loop3A_368 = arith.xori %parallel_loop3A_365, %parallel_loop3A_367 : i1
      %parallel_loop3A_369 = arith.andi %parallel_loop3A_368, %parallel_loop3A_363 : i1
      %parallel_loop3A_370 = arith.addi %parallel_loop3A_361, %parallel_loop3A_360 : i32
      %parallel_loop3A_371 = arith.select %parallel_loop3A_369, %parallel_loop3A_370, %parallel_loop3A_361 : i32
      %parallel_loop3A_372 = arith.index_cast %parallel_loop3A_355 : i32 to index
      %parallel_loop3A_373 = arith.index_cast %parallel_loop3A_371 : i32 to index
      %parallel_loop3A_374 = tpu.vector_load %arg6[%parallel_loop3A_372, %parallel_loop3A_373] {strides = array<i32>} : memref<64x512xi32, #tpu.memory_space<vmem>>, vector<16xi32>,
      %parallel_loop3A_375 = arith.andi %parallel_loop3A_374, %broadcast_in_dim3A_241 : vector<16xi32>
      %parallel_loop3A_376 = arith.andi %parallel_loop3A_374, %broadcast_in_dim3A_243 : vector<16xi32>
      %parallel_loop3A_377 = vector.bitcast %parallel_loop3A_376 : vector<16xi32> to vector<16xf32>
      tpu.vector_store_idx %arg7[%parallel_loop3A_375], %broadcast_in_dim3A_239 {add = true} : memref<512xf32, #tpu.memory_space<vmem>>[vector<16xi32>], vector<16xf32>,
      tpu.vector_store_idx %arg8[%parallel_loop3A_375], %parallel_loop3A_331 {add = true} : memref<512xf32, #tpu.memory_space<vmem>>[vector<16xi32>], vector<16xf32>,
      tpu.vector_store_idx %arg9[%parallel_loop3A_375], %parallel_loop3A_377 {add = true} : memref<512xf32, #tpu.memory_space<vmem>>[vector<16xi32>], vector<16xf32>,
    } {sc.loop_unroll_factor = 8 : i64, sc.parallel_access}
    "tpu.region"() ({
      %run_scoped3A = tpu.sem_alloc : memref<!tpu.dma_semaphore, #tpu.memory_space<semaphore_mem>>
      %dma_start3A_288 = arith.constant 0 : i32
      %dma_start3A_289 = tpu.memref_slice %arg4[%add3A, %dma_start3A_288] : memref<32x1536xf32, #tpu.memory_space<hbm>> -> memref<1x512xf32, #tpu.memory_space<hbm>>
      %dma_start3A_290 = tpu.memref_squeeze %dma_start3A_289 : memref<1x512xf32, #tpu.memory_space<hbm>> -> memref<512xf32, #tpu.memory_space<hbm>>
      %dma_start3A_291 = arith.constant 0 : i32
      %dma_start3A_292 = tpu.memref_slice %arg4[%add3A, %dma_start3A_291] : memref<32x1536xf32, #tpu.memory_space<hbm>> -> memref<1x512xf32, #tpu.memory_space<hbm>>
      %dma_start3A_293 = tpu.memref_squeeze %dma_start3A_292 : memref<1x512xf32, #tpu.memory_space<hbm>> -> memref<512xf32, #tpu.memory_space<hbm>>
      tpu.enqueue_dma source(%arg7 : memref<512xf32, #tpu.memory_space<vmem>>) target(%dma_start3A_293 : memref<512xf32, #tpu.memory_space<hbm>>) target_semaphore(%run_scoped3A : memref<!tpu.dma_semaphore, #tpu.memory_space<semaphore_mem>>)
      %dma_wait3A_294 = arith.constant 0 : i32
      %dma_wait3A_295 = tpu.memref_slice %arg4[%add3A, %dma_wait3A_294] : memref<32x1536xf32, #tpu.memory_space<hbm>> -> memref<1x512xf32, #tpu.memory_space<hbm>>
      %dma_wait3A_296 = tpu.memref_squeeze %dma_wait3A_295 : memref<1x512xf32, #tpu.memory_space<hbm>> -> memref<512xf32, #tpu.memory_space<hbm>>
      %dma_wait3A_297 = arith.constant 0 : i32
      %dma_wait3A_298 = tpu.memref_slice %arg4[%add3A, %dma_wait3A_297] : memref<32x1536xf32, #tpu.memory_space<hbm>> -> memref<1x512xf32, #tpu.memory_space<hbm>>
      %dma_wait3A_299 = tpu.memref_squeeze %dma_wait3A_298 : memref<1x512xf32, #tpu.memory_space<hbm>> -> memref<512xf32, #tpu.memory_space<hbm>>
      tpu.wait_dma2 semaphore(%run_scoped3A : memref<!tpu.dma_semaphore, #tpu.memory_space<semaphore_mem>>) src(%arg7 : memref<512xf32, #tpu.memory_space<vmem>>) dst(%dma_wait3A_299 : memref<512xf32, #tpu.memory_space<hbm>>)
      tpu.yield
    }) : () -> ()
    "tpu.region"() ({
      %run_scoped3A = tpu.sem_alloc : memref<!tpu.dma_semaphore, #tpu.memory_space<semaphore_mem>>
      %dma_start3A_288 = arith.constant 512 : i32
      %dma_start3A_289 = tpu.memref_slice %arg4[%add3A, %dma_start3A_288] : memref<32x1536xf32, #tpu.memory_space<hbm>> -> memref<1x512xf32, #tpu.memory_space<hbm>>
      %dma_start3A_290 = tpu.memref_squeeze %dma_start3A_289 : memref<1x512xf32, #tpu.memory_space<hbm>> -> memref<512xf32, #tpu.memory_space<hbm>>
      %dma_start3A_291 = arith.constant 512 : i32
      %dma_start3A_292 = tpu.memref_slice %arg4[%add3A, %dma_start3A_291] : memref<32x1536xf32, #tpu.memory_space<hbm>> -> memref<1x512xf32, #tpu.memory_space<hbm>>
      %dma_start3A_293 = tpu.memref_squeeze %dma_start3A_292 : memref<1x512xf32, #tpu.memory_space<hbm>> -> memref<512xf32, #tpu.memory_space<hbm>>
      tpu.enqueue_dma source(%arg8 : memref<512xf32, #tpu.memory_space<vmem>>) target(%dma_start3A_293 : memref<512xf32, #tpu.memory_space<hbm>>) target_semaphore(%run_scoped3A : memref<!tpu.dma_semaphore, #tpu.memory_space<semaphore_mem>>)
      %dma_wait3A_294 = arith.constant 512 : i32
      %dma_wait3A_295 = tpu.memref_slice %arg4[%add3A, %dma_wait3A_294] : memref<32x1536xf32, #tpu.memory_space<hbm>> -> memref<1x512xf32, #tpu.memory_space<hbm>>
      %dma_wait3A_296 = tpu.memref_squeeze %dma_wait3A_295 : memref<1x512xf32, #tpu.memory_space<hbm>> -> memref<512xf32, #tpu.memory_space<hbm>>
      %dma_wait3A_297 = arith.constant 512 : i32
      %dma_wait3A_298 = tpu.memref_slice %arg4[%add3A, %dma_wait3A_297] : memref<32x1536xf32, #tpu.memory_space<hbm>> -> memref<1x512xf32, #tpu.memory_space<hbm>>
      %dma_wait3A_299 = tpu.memref_squeeze %dma_wait3A_298 : memref<1x512xf32, #tpu.memory_space<hbm>> -> memref<512xf32, #tpu.memory_space<hbm>>
      tpu.wait_dma2 semaphore(%run_scoped3A : memref<!tpu.dma_semaphore, #tpu.memory_space<semaphore_mem>>) src(%arg8 : memref<512xf32, #tpu.memory_space<vmem>>) dst(%dma_wait3A_299 : memref<512xf32, #tpu.memory_space<hbm>>)
      tpu.yield
    }) : () -> ()
    "tpu.region"() ({
      %run_scoped3A = tpu.sem_alloc : memref<!tpu.dma_semaphore, #tpu.memory_space<semaphore_mem>>
      %dma_start3A_288 = arith.constant 1024 : i32
      %dma_start3A_289 = tpu.memref_slice %arg4[%add3A, %dma_start3A_288] : memref<32x1536xf32, #tpu.memory_space<hbm>> -> memref<1x512xf32, #tpu.memory_space<hbm>>
      %dma_start3A_290 = tpu.memref_squeeze %dma_start3A_289 : memref<1x512xf32, #tpu.memory_space<hbm>> -> memref<512xf32, #tpu.memory_space<hbm>>
      %dma_start3A_291 = arith.constant 1024 : i32
      %dma_start3A_292 = tpu.memref_slice %arg4[%add3A, %dma_start3A_291] : memref<32x1536xf32, #tpu.memory_space<hbm>> -> memref<1x512xf32, #tpu.memory_space<hbm>>
      %dma_start3A_293 = tpu.memref_squeeze %dma_start3A_292 : memref<1x512xf32, #tpu.memory_space<hbm>> -> memref<512xf32, #tpu.memory_space<hbm>>
      tpu.enqueue_dma source(%arg9 : memref<512xf32, #tpu.memory_space<vmem>>) target(%dma_start3A_293 : memref<512xf32, #tpu.memory_space<hbm>>) target_semaphore(%run_scoped3A : memref<!tpu.dma_semaphore, #tpu.memory_space<semaphore_mem>>)
      %dma_wait3A_294 = arith.constant 1024 : i32
      %dma_wait3A_295 = tpu.memref_slice %arg4[%add3A, %dma_wait3A_294] : memref<32x1536xf32, #tpu.memory_space<hbm>> -> memref<1x512xf32, #tpu.memory_space<hbm>>
      %dma_wait3A_296 = tpu.memref_squeeze %dma_wait3A_295 : memref<1x512xf32, #tpu.memory_space<hbm>> -> memref<512xf32, #tpu.memory_space<hbm>>
      %dma_wait3A_297 = arith.constant 1024 : i32
      %dma_wait3A_298 = tpu.memref_slice %arg4[%add3A, %dma_wait3A_297] : memref<32x1536xf32, #tpu.memory_space<hbm>> -> memref<1x512xf32, #tpu.memory_space<hbm>>
      %dma_wait3A_299 = tpu.memref_squeeze %dma_wait3A_298 : memref<1x512xf32, #tpu.memory_space<hbm>> -> memref<512xf32, #tpu.memory_space<hbm>>
      tpu.wait_dma2 semaphore(%run_scoped3A : memref<!tpu.dma_semaphore, #tpu.memory_space<semaphore_mem>>) src(%arg9 : memref<512xf32, #tpu.memory_space<vmem>>) dst(%dma_wait3A_299 : memref<512xf32, #tpu.memory_space<hbm>>)
      tpu.yield
    }) : () -> ()
    return
  }
}

module attributes {stable_mosaic.version = 14 : i64} {
  func.func @_stage1_body(%arg0: i32, %arg1: i32, %arg2: memref<1x19x256x512xf32, #tpu.memory_space<vmem>>, %arg3: memref<256x512xf32, #tpu.memory_space<vmem>>, %arg4: memref<256x512xi32, #tpu.memory_space<vmem>>) attributes {dimension_semantics = [#tpu.dimension_semantics<arbitrary>, #tpu.dimension_semantics<arbitrary>], iteration_bounds = array<i64: 4, 2>, scalar_prefetch = 0 : i64, scratch_operands = 0 : i64, tpu.core_type = #tpu.core_type<tc>, window_params = [{transform_indices = @transform_0, window_bounds = array<i64: 1, 19, 256, 512>}, {transform_indices = @transform_1, window_bounds = array<i64: 256, 512>}, {transform_indices = @transform_2, window_bounds = array<i64: 256, 512>}]} {
    %get3A = arith.constant 0 : index
    %get3A_0 = arith.constant 0 : index
    %get3A_1 = arith.constant 0 : index
    %get3A_2 = arith.constant 0 : index
    %get3A_3 = vector.load %arg2[%get3A, %get3A_0, %get3A_1, %get3A_2] : memref<1x19x256x512xf32, #tpu.memory_space<vmem>>, vector<1x1x256x512xf32>
    %get3A_4 = vector.shape_cast %get3A_3 : vector<1x1x256x512xf32> to vector<256x512xf32>
    %mul3A = arith.mulf %get3A_4, %get3A_4 : vector<256x512xf32>
    %get3A_5 = arith.constant 0 : index
    %get3A_6 = arith.constant 1 : index
    %get3A_7 = arith.constant 0 : index
    %get3A_8 = arith.constant 0 : index
    %get3A_9 = vector.load %arg2[%get3A_5, %get3A_6, %get3A_7, %get3A_8] : memref<1x19x256x512xf32, #tpu.memory_space<vmem>>, vector<1x1x256x512xf32>
    %get3A_10 = vector.shape_cast %get3A_9 : vector<1x1x256x512xf32> to vector<256x512xf32>
    %max3A = arith.maximumf %get3A_4, %get3A_10 : vector<256x512xf32>
    %add3A = arith.addf %get3A_4, %get3A_10 : vector<256x512xf32>
    %mul3A_11 = arith.mulf %get3A_10, %get3A_10 : vector<256x512xf32>
    %add3A_12 = arith.addf %mul3A, %mul3A_11 : vector<256x512xf32>
    %get3A_13 = arith.constant 0 : index
    %get3A_14 = arith.constant 2 : index
    %get3A_15 = arith.constant 0 : index
    %get3A_16 = arith.constant 0 : index
    %get3A_17 = vector.load %arg2[%get3A_13, %get3A_14, %get3A_15, %get3A_16] : memref<1x19x256x512xf32, #tpu.memory_space<vmem>>, vector<1x1x256x512xf32>
    %get3A_18 = vector.shape_cast %get3A_17 : vector<1x1x256x512xf32> to vector<256x512xf32>
    %max3A_19 = arith.maximumf %max3A, %get3A_18 : vector<256x512xf32>
    %add3A_20 = arith.addf %add3A, %get3A_18 : vector<256x512xf32>
    %mul3A_21 = arith.mulf %get3A_18, %get3A_18 : vector<256x512xf32>
    %add3A_22 = arith.addf %add3A_12, %mul3A_21 : vector<256x512xf32>
    %get3A_23 = arith.constant 0 : index
    %get3A_24 = arith.constant 3 : index
    %get3A_25 = arith.constant 0 : index
    %get3A_26 = arith.constant 0 : index
    %get3A_27 = vector.load %arg2[%get3A_23, %get3A_24, %get3A_25, %get3A_26] : memref<1x19x256x512xf32, #tpu.memory_space<vmem>>, vector<1x1x256x512xf32>
    %get3A_28 = vector.shape_cast %get3A_27 : vector<1x1x256x512xf32> to vector<256x512xf32>
    %max3A_29 = arith.maximumf %max3A_19, %get3A_28 : vector<256x512xf32>
    %add3A_30 = arith.addf %add3A_20, %get3A_28 : vector<256x512xf32>
    %mul3A_31 = arith.mulf %get3A_28, %get3A_28 : vector<256x512xf32>
    %add3A_32 = arith.addf %add3A_22, %mul3A_31 : vector<256x512xf32>
    %get3A_33 = arith.constant 0 : index
    %get3A_34 = arith.constant 4 : index
    %get3A_35 = arith.constant 0 : index
    %get3A_36 = arith.constant 0 : index
    %get3A_37 = vector.load %arg2[%get3A_33, %get3A_34, %get3A_35, %get3A_36] : memref<1x19x256x512xf32, #tpu.memory_space<vmem>>, vector<1x1x256x512xf32>
    %get3A_38 = vector.shape_cast %get3A_37 : vector<1x1x256x512xf32> to vector<256x512xf32>
    %max3A_39 = arith.maximumf %max3A_29, %get3A_38 : vector<256x512xf32>
    %add3A_40 = arith.addf %add3A_30, %get3A_38 : vector<256x512xf32>
    %mul3A_41 = arith.mulf %get3A_38, %get3A_38 : vector<256x512xf32>
    %add3A_42 = arith.addf %add3A_32, %mul3A_41 : vector<256x512xf32>
    %get3A_43 = arith.constant 0 : index
    %get3A_44 = arith.constant 5 : index
    %get3A_45 = arith.constant 0 : index
    %get3A_46 = arith.constant 0 : index
    %get3A_47 = vector.load %arg2[%get3A_43, %get3A_44, %get3A_45, %get3A_46] : memref<1x19x256x512xf32, #tpu.memory_space<vmem>>, vector<1x1x256x512xf32>
    %get3A_48 = vector.shape_cast %get3A_47 : vector<1x1x256x512xf32> to vector<256x512xf32>
    %max3A_49 = arith.maximumf %max3A_39, %get3A_48 : vector<256x512xf32>
    %add3A_50 = arith.addf %add3A_40, %get3A_48 : vector<256x512xf32>
    %mul3A_51 = arith.mulf %get3A_48, %get3A_48 : vector<256x512xf32>
    %add3A_52 = arith.addf %add3A_42, %mul3A_51 : vector<256x512xf32>
    %get3A_53 = arith.constant 0 : index
    %get3A_54 = arith.constant 6 : index
    %get3A_55 = arith.constant 0 : index
    %get3A_56 = arith.constant 0 : index
    %get3A_57 = vector.load %arg2[%get3A_53, %get3A_54, %get3A_55, %get3A_56] : memref<1x19x256x512xf32, #tpu.memory_space<vmem>>, vector<1x1x256x512xf32>
    %get3A_58 = vector.shape_cast %get3A_57 : vector<1x1x256x512xf32> to vector<256x512xf32>
    %max3A_59 = arith.maximumf %max3A_49, %get3A_58 : vector<256x512xf32>
    %add3A_60 = arith.addf %add3A_50, %get3A_58 : vector<256x512xf32>
    %mul3A_61 = arith.mulf %get3A_58, %get3A_58 : vector<256x512xf32>
    %add3A_62 = arith.addf %add3A_52, %mul3A_61 : vector<256x512xf32>
    %get3A_63 = arith.constant 0 : index
    %get3A_64 = arith.constant 7 : index
    %get3A_65 = arith.constant 0 : index
    %get3A_66 = arith.constant 0 : index
    %get3A_67 = vector.load %arg2[%get3A_63, %get3A_64, %get3A_65, %get3A_66] : memref<1x19x256x512xf32, #tpu.memory_space<vmem>>, vector<1x1x256x512xf32>
    %get3A_68 = vector.shape_cast %get3A_67 : vector<1x1x256x512xf32> to vector<256x512xf32>
    %max3A_69 = arith.maximumf %max3A_59, %get3A_68 : vector<256x512xf32>
    %add3A_70 = arith.addf %add3A_60, %get3A_68 : vector<256x512xf32>
    %mul3A_71 = arith.mulf %get3A_68, %get3A_68 : vector<256x512xf32>
    %add3A_72 = arith.addf %add3A_62, %mul3A_71 : vector<256x512xf32>
    %get3A_73 = arith.constant 0 : index
    %get3A_74 = arith.constant 8 : index
    %get3A_75 = arith.constant 0 : index
    %get3A_76 = arith.constant 0 : index
    %get3A_77 = vector.load %arg2[%get3A_73, %get3A_74, %get3A_75, %get3A_76] : memref<1x19x256x512xf32, #tpu.memory_space<vmem>>, vector<1x1x256x512xf32>
    %get3A_78 = vector.shape_cast %get3A_77 : vector<1x1x256x512xf32> to vector<256x512xf32>
    %max3A_79 = arith.maximumf %max3A_69, %get3A_78 : vector<256x512xf32>
    %add3A_80 = arith.addf %add3A_70, %get3A_78 : vector<256x512xf32>
    %mul3A_81 = arith.mulf %get3A_78, %get3A_78 : vector<256x512xf32>
    %add3A_82 = arith.addf %add3A_72, %mul3A_81 : vector<256x512xf32>
    %get3A_83 = arith.constant 0 : index
    %get3A_84 = arith.constant 9 : index
    %get3A_85 = arith.constant 0 : index
    %get3A_86 = arith.constant 0 : index
    %get3A_87 = vector.load %arg2[%get3A_83, %get3A_84, %get3A_85, %get3A_86] : memref<1x19x256x512xf32, #tpu.memory_space<vmem>>, vector<1x1x256x512xf32>
    %get3A_88 = vector.shape_cast %get3A_87 : vector<1x1x256x512xf32> to vector<256x512xf32>
    %max3A_89 = arith.maximumf %max3A_79, %get3A_88 : vector<256x512xf32>
    %add3A_90 = arith.addf %add3A_80, %get3A_88 : vector<256x512xf32>
    %mul3A_91 = arith.mulf %get3A_88, %get3A_88 : vector<256x512xf32>
    %add3A_92 = arith.addf %add3A_82, %mul3A_91 : vector<256x512xf32>
    %get3A_93 = arith.constant 0 : index
    %get3A_94 = arith.constant 10 : index
    %get3A_95 = arith.constant 0 : index
    %get3A_96 = arith.constant 0 : index
    %get3A_97 = vector.load %arg2[%get3A_93, %get3A_94, %get3A_95, %get3A_96] : memref<1x19x256x512xf32, #tpu.memory_space<vmem>>, vector<1x1x256x512xf32>
    %get3A_98 = vector.shape_cast %get3A_97 : vector<1x1x256x512xf32> to vector<256x512xf32>
    %max3A_99 = arith.maximumf %max3A_89, %get3A_98 : vector<256x512xf32>
    %add3A_100 = arith.addf %add3A_90, %get3A_98 : vector<256x512xf32>
    %mul3A_101 = arith.mulf %get3A_98, %get3A_98 : vector<256x512xf32>
    %add3A_102 = arith.addf %add3A_92, %mul3A_101 : vector<256x512xf32>
    %get3A_103 = arith.constant 0 : index
    %get3A_104 = arith.constant 11 : index
    %get3A_105 = arith.constant 0 : index
    %get3A_106 = arith.constant 0 : index
    %get3A_107 = vector.load %arg2[%get3A_103, %get3A_104, %get3A_105, %get3A_106] : memref<1x19x256x512xf32, #tpu.memory_space<vmem>>, vector<1x1x256x512xf32>
    %get3A_108 = vector.shape_cast %get3A_107 : vector<1x1x256x512xf32> to vector<256x512xf32>
    %max3A_109 = arith.maximumf %max3A_99, %get3A_108 : vector<256x512xf32>
    %add3A_110 = arith.addf %add3A_100, %get3A_108 : vector<256x512xf32>
    %mul3A_111 = arith.mulf %get3A_108, %get3A_108 : vector<256x512xf32>
    %add3A_112 = arith.addf %add3A_102, %mul3A_111 : vector<256x512xf32>
    %get3A_113 = arith.constant 0 : index
    %get3A_114 = arith.constant 12 : index
    %get3A_115 = arith.constant 0 : index
    %get3A_116 = arith.constant 0 : index
    %get3A_117 = vector.load %arg2[%get3A_113, %get3A_114, %get3A_115, %get3A_116] : memref<1x19x256x512xf32, #tpu.memory_space<vmem>>, vector<1x1x256x512xf32>
    %get3A_118 = vector.shape_cast %get3A_117 : vector<1x1x256x512xf32> to vector<256x512xf32>
    %max3A_119 = arith.maximumf %max3A_109, %get3A_118 : vector<256x512xf32>
    %add3A_120 = arith.addf %add3A_110, %get3A_118 : vector<256x512xf32>
    %mul3A_121 = arith.mulf %get3A_118, %get3A_118 : vector<256x512xf32>
    %add3A_122 = arith.addf %add3A_112, %mul3A_121 : vector<256x512xf32>
    %get3A_123 = arith.constant 0 : index
    %get3A_124 = arith.constant 13 : index
    %get3A_125 = arith.constant 0 : index
    %get3A_126 = arith.constant 0 : index
    %get3A_127 = vector.load %arg2[%get3A_123, %get3A_124, %get3A_125, %get3A_126] : memref<1x19x256x512xf32, #tpu.memory_space<vmem>>, vector<1x1x256x512xf32>
    %get3A_128 = vector.shape_cast %get3A_127 : vector<1x1x256x512xf32> to vector<256x512xf32>
    %max3A_129 = arith.maximumf %max3A_119, %get3A_128 : vector<256x512xf32>
    %add3A_130 = arith.addf %add3A_120, %get3A_128 : vector<256x512xf32>
    %mul3A_131 = arith.mulf %get3A_128, %get3A_128 : vector<256x512xf32>
    %add3A_132 = arith.addf %add3A_122, %mul3A_131 : vector<256x512xf32>
    %get3A_133 = arith.constant 0 : index
    %get3A_134 = arith.constant 14 : index
    %get3A_135 = arith.constant 0 : index
    %get3A_136 = arith.constant 0 : index
    %get3A_137 = vector.load %arg2[%get3A_133, %get3A_134, %get3A_135, %get3A_136] : memref<1x19x256x512xf32, #tpu.memory_space<vmem>>, vector<1x1x256x512xf32>
    %get3A_138 = vector.shape_cast %get3A_137 : vector<1x1x256x512xf32> to vector<256x512xf32>
    %max3A_139 = arith.maximumf %max3A_129, %get3A_138 : vector<256x512xf32>
    %add3A_140 = arith.addf %add3A_130, %get3A_138 : vector<256x512xf32>
    %mul3A_141 = arith.mulf %get3A_138, %get3A_138 : vector<256x512xf32>
    %add3A_142 = arith.addf %add3A_132, %mul3A_141 : vector<256x512xf32>
    %get3A_143 = arith.constant 0 : index
    %get3A_144 = arith.constant 15 : index
    %get3A_145 = arith.constant 0 : index
    %get3A_146 = arith.constant 0 : index
    %get3A_147 = vector.load %arg2[%get3A_143, %get3A_144, %get3A_145, %get3A_146] : memref<1x19x256x512xf32, #tpu.memory_space<vmem>>, vector<1x1x256x512xf32>
    %get3A_148 = vector.shape_cast %get3A_147 : vector<1x1x256x512xf32> to vector<256x512xf32>
    %max3A_149 = arith.maximumf %max3A_139, %get3A_148 : vector<256x512xf32>
    %add3A_150 = arith.addf %add3A_140, %get3A_148 : vector<256x512xf32>
    %mul3A_151 = arith.mulf %get3A_148, %get3A_148 : vector<256x512xf32>
    %add3A_152 = arith.addf %add3A_142, %mul3A_151 : vector<256x512xf32>
    %get3A_153 = arith.constant 0 : index
    %get3A_154 = arith.constant 16 : index
    %get3A_155 = arith.constant 0 : index
    %get3A_156 = arith.constant 0 : index
    %get3A_157 = vector.load %arg2[%get3A_153, %get3A_154, %get3A_155, %get3A_156] : memref<1x19x256x512xf32, #tpu.memory_space<vmem>>, vector<1x1x256x512xf32>
    %get3A_158 = vector.shape_cast %get3A_157 : vector<1x1x256x512xf32> to vector<256x512xf32>
    %max3A_159 = arith.maximumf %max3A_149, %get3A_158 : vector<256x512xf32>
    %add3A_160 = arith.addf %add3A_150, %get3A_158 : vector<256x512xf32>
    %mul3A_161 = arith.mulf %get3A_158, %get3A_158 : vector<256x512xf32>
    %add3A_162 = arith.addf %add3A_152, %mul3A_161 : vector<256x512xf32>
    %get3A_163 = arith.constant 0 : index
    %get3A_164 = arith.constant 17 : index
    %get3A_165 = arith.constant 0 : index
    %get3A_166 = arith.constant 0 : index
    %get3A_167 = vector.load %arg2[%get3A_163, %get3A_164, %get3A_165, %get3A_166] : memref<1x19x256x512xf32, #tpu.memory_space<vmem>>, vector<1x1x256x512xf32>
    %get3A_168 = vector.shape_cast %get3A_167 : vector<1x1x256x512xf32> to vector<256x512xf32>
    %max3A_169 = arith.maximumf %max3A_159, %get3A_168 : vector<256x512xf32>
    %add3A_170 = arith.addf %add3A_160, %get3A_168 : vector<256x512xf32>
    %mul3A_171 = arith.mulf %get3A_168, %get3A_168 : vector<256x512xf32>
    %add3A_172 = arith.addf %add3A_162, %mul3A_171 : vector<256x512xf32>
    %get3A_173 = arith.constant 0 : index
    %get3A_174 = arith.constant 18 : index
    %get3A_175 = arith.constant 0 : index
    %get3A_176 = arith.constant 0 : index
    %get3A_177 = vector.load %arg2[%get3A_173, %get3A_174, %get3A_175, %get3A_176] : memref<1x19x256x512xf32, #tpu.memory_space<vmem>>, vector<1x1x256x512xf32>
    %get3A_178 = vector.shape_cast %get3A_177 : vector<1x1x256x512xf32> to vector<256x512xf32>
    %max3A_179 = arith.maximumf %max3A_169, %get3A_178 : vector<256x512xf32>
    %add3A_180 = arith.addf %add3A_170, %get3A_178 : vector<256x512xf32>
    %mul3A_181 = arith.mulf %get3A_178, %get3A_178 : vector<256x512xf32>
    %add3A_182 = arith.addf %add3A_172, %mul3A_181 : vector<256x512xf32>
    %broadcast_in_dim3A = arith.constant 18 : i32
    %broadcast_in_dim3A_183 = vector.broadcast %broadcast_in_dim3A : i32 to vector<256x512xi32>
    %get3A_184 = arith.constant 0 : index
    %get3A_185 = arith.constant 17 : index
    %get3A_186 = arith.constant 0 : index
    %get3A_187 = arith.constant 0 : index
    %get3A_188 = vector.load %arg2[%get3A_184, %get3A_185, %get3A_186, %get3A_187] : memref<1x19x256x512xf32, #tpu.memory_space<vmem>>, vector<1x1x256x512xf32>
    %get3A_189 = vector.shape_cast %get3A_188 : vector<1x1x256x512xf32> to vector<256x512xf32>
    %eq3A = arith.cmpf oeq, %get3A_189, %max3A_179 : vector<256x512xf32>
    %jit3A = arith.constant 17 : i32
    %broadcast_in_dim3A_190 = vector.broadcast %jit3A : i32 to vector<256x512xi32>
    %select_n3A = arith.select %eq3A, %broadcast_in_dim3A_190, %broadcast_in_dim3A_183 : vector<256x512xi1>, vector<256x512xi32>
    %get3A_191 = arith.constant 0 : index
    %get3A_192 = arith.constant 16 : index
    %get3A_193 = arith.constant 0 : index
    %get3A_194 = arith.constant 0 : index
    %get3A_195 = vector.load %arg2[%get3A_191, %get3A_192, %get3A_193, %get3A_194] : memref<1x19x256x512xf32, #tpu.memory_space<vmem>>, vector<1x1x256x512xf32>
    %get3A_196 = vector.shape_cast %get3A_195 : vector<1x1x256x512xf32> to vector<256x512xf32>
    %eq3A_197 = arith.cmpf oeq, %get3A_196, %max3A_179 : vector<256x512xf32>
    %jit3A_198 = arith.constant 16 : i32
    %broadcast_in_dim3A_199 = vector.broadcast %jit3A_198 : i32 to vector<256x512xi32>
    %select_n3A_200 = arith.select %eq3A_197, %broadcast_in_dim3A_199, %select_n3A : vector<256x512xi1>, vector<256x512xi32>
    %get3A_201 = arith.constant 0 : index
    %get3A_202 = arith.constant 15 : index
    %get3A_203 = arith.constant 0 : index
    %get3A_204 = arith.constant 0 : index
    %get3A_205 = vector.load %arg2[%get3A_201, %get3A_202, %get3A_203, %get3A_204] : memref<1x19x256x512xf32, #tpu.memory_space<vmem>>, vector<1x1x256x512xf32>
    %get3A_206 = vector.shape_cast %get3A_205 : vector<1x1x256x512xf32> to vector<256x512xf32>
    %eq3A_207 = arith.cmpf oeq, %get3A_206, %max3A_179 : vector<256x512xf32>
    %jit3A_208 = arith.constant 15 : i32
    %broadcast_in_dim3A_209 = vector.broadcast %jit3A_208 : i32 to vector<256x512xi32>
    %select_n3A_210 = arith.select %eq3A_207, %broadcast_in_dim3A_209, %select_n3A_200 : vector<256x512xi1>, vector<256x512xi32>
    %get3A_211 = arith.constant 0 : index
    %get3A_212 = arith.constant 14 : index
    %get3A_213 = arith.constant 0 : index
    %get3A_214 = arith.constant 0 : index
    %get3A_215 = vector.load %arg2[%get3A_211, %get3A_212, %get3A_213, %get3A_214] : memref<1x19x256x512xf32, #tpu.memory_space<vmem>>, vector<1x1x256x512xf32>
    %get3A_216 = vector.shape_cast %get3A_215 : vector<1x1x256x512xf32> to vector<256x512xf32>
    %eq3A_217 = arith.cmpf oeq, %get3A_216, %max3A_179 : vector<256x512xf32>
    %jit3A_218 = arith.constant 14 : i32
    %broadcast_in_dim3A_219 = vector.broadcast %jit3A_218 : i32 to vector<256x512xi32>
    %select_n3A_220 = arith.select %eq3A_217, %broadcast_in_dim3A_219, %select_n3A_210 : vector<256x512xi1>, vector<256x512xi32>
    %get3A_221 = arith.constant 0 : index
    %get3A_222 = arith.constant 13 : index
    %get3A_223 = arith.constant 0 : index
    %get3A_224 = arith.constant 0 : index
    %get3A_225 = vector.load %arg2[%get3A_221, %get3A_222, %get3A_223, %get3A_224] : memref<1x19x256x512xf32, #tpu.memory_space<vmem>>, vector<1x1x256x512xf32>
    %get3A_226 = vector.shape_cast %get3A_225 : vector<1x1x256x512xf32> to vector<256x512xf32>
    %eq3A_227 = arith.cmpf oeq, %get3A_226, %max3A_179 : vector<256x512xf32>
    %jit3A_228 = arith.constant 13 : i32
    %broadcast_in_dim3A_229 = vector.broadcast %jit3A_228 : i32 to vector<256x512xi32>
    %select_n3A_230 = arith.select %eq3A_227, %broadcast_in_dim3A_229, %select_n3A_220 : vector<256x512xi1>, vector<256x512xi32>
    %get3A_231 = arith.constant 0 : index
    %get3A_232 = arith.constant 12 : index
    %get3A_233 = arith.constant 0 : index
    %get3A_234 = arith.constant 0 : index
    %get3A_235 = vector.load %arg2[%get3A_231, %get3A_232, %get3A_233, %get3A_234] : memref<1x19x256x512xf32, #tpu.memory_space<vmem>>, vector<1x1x256x512xf32>
    %get3A_236 = vector.shape_cast %get3A_235 : vector<1x1x256x512xf32> to vector<256x512xf32>
    %eq3A_237 = arith.cmpf oeq, %get3A_236, %max3A_179 : vector<256x512xf32>
    %jit3A_238 = arith.constant 12 : i32
    %broadcast_in_dim3A_239 = vector.broadcast %jit3A_238 : i32 to vector<256x512xi32>
    %select_n3A_240 = arith.select %eq3A_237, %broadcast_in_dim3A_239, %select_n3A_230 : vector<256x512xi1>, vector<256x512xi32>
    %get3A_241 = arith.constant 0 : index
    %get3A_242 = arith.constant 11 : index
    %get3A_243 = arith.constant 0 : index
    %get3A_244 = arith.constant 0 : index
    %get3A_245 = vector.load %arg2[%get3A_241, %get3A_242, %get3A_243, %get3A_244] : memref<1x19x256x512xf32, #tpu.memory_space<vmem>>, vector<1x1x256x512xf32>
    %get3A_246 = vector.shape_cast %get3A_245 : vector<1x1x256x512xf32> to vector<256x512xf32>
    %eq3A_247 = arith.cmpf oeq, %get3A_246, %max3A_179 : vector<256x512xf32>
    %jit3A_248 = arith.constant 11 : i32
    %broadcast_in_dim3A_249 = vector.broadcast %jit3A_248 : i32 to vector<256x512xi32>
    %select_n3A_250 = arith.select %eq3A_247, %broadcast_in_dim3A_249, %select_n3A_240 : vector<256x512xi1>, vector<256x512xi32>
    %get3A_251 = arith.constant 0 : index
    %get3A_252 = arith.constant 10 : index
    %get3A_253 = arith.constant 0 : index
    %get3A_254 = arith.constant 0 : index
    %get3A_255 = vector.load %arg2[%get3A_251, %get3A_252, %get3A_253, %get3A_254] : memref<1x19x256x512xf32, #tpu.memory_space<vmem>>, vector<1x1x256x512xf32>
    %get3A_256 = vector.shape_cast %get3A_255 : vector<1x1x256x512xf32> to vector<256x512xf32>
    %eq3A_257 = arith.cmpf oeq, %get3A_256, %max3A_179 : vector<256x512xf32>
    %jit3A_258 = arith.constant 10 : i32
    %broadcast_in_dim3A_259 = vector.broadcast %jit3A_258 : i32 to vector<256x512xi32>
    %select_n3A_260 = arith.select %eq3A_257, %broadcast_in_dim3A_259, %select_n3A_250 : vector<256x512xi1>, vector<256x512xi32>
    %get3A_261 = arith.constant 0 : index
    %get3A_262 = arith.constant 9 : index
    %get3A_263 = arith.constant 0 : index
    %get3A_264 = arith.constant 0 : index
    %get3A_265 = vector.load %arg2[%get3A_261, %get3A_262, %get3A_263, %get3A_264] : memref<1x19x256x512xf32, #tpu.memory_space<vmem>>, vector<1x1x256x512xf32>
    %get3A_266 = vector.shape_cast %get3A_265 : vector<1x1x256x512xf32> to vector<256x512xf32>
    %eq3A_267 = arith.cmpf oeq, %get3A_266, %max3A_179 : vector<256x512xf32>
    %jit3A_268 = arith.constant 9 : i32
    %broadcast_in_dim3A_269 = vector.broadcast %jit3A_268 : i32 to vector<256x512xi32>
    %select_n3A_270 = arith.select %eq3A_267, %broadcast_in_dim3A_269, %select_n3A_260 : vector<256x512xi1>, vector<256x512xi32>
    %get3A_271 = arith.constant 0 : index
    %get3A_272 = arith.constant 8 : index
    %get3A_273 = arith.constant 0 : index
    %get3A_274 = arith.constant 0 : index
    %get3A_275 = vector.load %arg2[%get3A_271, %get3A_272, %get3A_273, %get3A_274] : memref<1x19x256x512xf32, #tpu.memory_space<vmem>>, vector<1x1x256x512xf32>
    %get3A_276 = vector.shape_cast %get3A_275 : vector<1x1x256x512xf32> to vector<256x512xf32>
    %eq3A_277 = arith.cmpf oeq, %get3A_276, %max3A_179 : vector<256x512xf32>
    %jit3A_278 = arith.constant 8 : i32
    %broadcast_in_dim3A_279 = vector.broadcast %jit3A_278 : i32 to vector<256x512xi32>
    %select_n3A_280 = arith.select %eq3A_277, %broadcast_in_dim3A_279, %select_n3A_270 : vector<256x512xi1>, vector<256x512xi32>
    %get3A_281 = arith.constant 0 : index
    %get3A_282 = arith.constant 7 : index
    %get3A_283 = arith.constant 0 : index
    %get3A_284 = arith.constant 0 : index
    %get3A_285 = vector.load %arg2[%get3A_281, %get3A_282, %get3A_283, %get3A_284] : memref<1x19x256x512xf32, #tpu.memory_space<vmem>>, vector<1x1x256x512xf32>
    %get3A_286 = vector.shape_cast %get3A_285 : vector<1x1x256x512xf32> to vector<256x512xf32>
    %eq3A_287 = arith.cmpf oeq, %get3A_286, %max3A_179 : vector<256x512xf32>
    %jit3A_288 = arith.constant 7 : i32
    %broadcast_in_dim3A_289 = vector.broadcast %jit3A_288 : i32 to vector<256x512xi32>
    %select_n3A_290 = arith.select %eq3A_287, %broadcast_in_dim3A_289, %select_n3A_280 : vector<256x512xi1>, vector<256x512xi32>
    %get3A_291 = arith.constant 0 : index
    %get3A_292 = arith.constant 6 : index
    %get3A_293 = arith.constant 0 : index
    %get3A_294 = arith.constant 0 : index
    %get3A_295 = vector.load %arg2[%get3A_291, %get3A_292, %get3A_293, %get3A_294] : memref<1x19x256x512xf32, #tpu.memory_space<vmem>>, vector<1x1x256x512xf32>
    %get3A_296 = vector.shape_cast %get3A_295 : vector<1x1x256x512xf32> to vector<256x512xf32>
    %eq3A_297 = arith.cmpf oeq, %get3A_296, %max3A_179 : vector<256x512xf32>
    %jit3A_298 = arith.constant 6 : i32
    %broadcast_in_dim3A_299 = vector.broadcast %jit3A_298 : i32 to vector<256x512xi32>
    %select_n3A_300 = arith.select %eq3A_297, %broadcast_in_dim3A_299, %select_n3A_290 : vector<256x512xi1>, vector<256x512xi32>
    %get3A_301 = arith.constant 0 : index
    %get3A_302 = arith.constant 5 : index
    %get3A_303 = arith.constant 0 : index
    %get3A_304 = arith.constant 0 : index
    %get3A_305 = vector.load %arg2[%get3A_301, %get3A_302, %get3A_303, %get3A_304] : memref<1x19x256x512xf32, #tpu.memory_space<vmem>>, vector<1x1x256x512xf32>
    %get3A_306 = vector.shape_cast %get3A_305 : vector<1x1x256x512xf32> to vector<256x512xf32>
    %eq3A_307 = arith.cmpf oeq, %get3A_306, %max3A_179 : vector<256x512xf32>
    %jit3A_308 = arith.constant 5 : i32
    %broadcast_in_dim3A_309 = vector.broadcast %jit3A_308 : i32 to vector<256x512xi32>
    %select_n3A_310 = arith.select %eq3A_307, %broadcast_in_dim3A_309, %select_n3A_300 : vector<256x512xi1>, vector<256x512xi32>
    %get3A_311 = arith.constant 0 : index
    %get3A_312 = arith.constant 4 : index
    %get3A_313 = arith.constant 0 : index
    %get3A_314 = arith.constant 0 : index
    %get3A_315 = vector.load %arg2[%get3A_311, %get3A_312, %get3A_313, %get3A_314] : memref<1x19x256x512xf32, #tpu.memory_space<vmem>>, vector<1x1x256x512xf32>
    %get3A_316 = vector.shape_cast %get3A_315 : vector<1x1x256x512xf32> to vector<256x512xf32>
    %eq3A_317 = arith.cmpf oeq, %get3A_316, %max3A_179 : vector<256x512xf32>
    %jit3A_318 = arith.constant 4 : i32
    %broadcast_in_dim3A_319 = vector.broadcast %jit3A_318 : i32 to vector<256x512xi32>
    %select_n3A_320 = arith.select %eq3A_317, %broadcast_in_dim3A_319, %select_n3A_310 : vector<256x512xi1>, vector<256x512xi32>
    %get3A_321 = arith.constant 0 : index
    %get3A_322 = arith.constant 3 : index
    %get3A_323 = arith.constant 0 : index
    %get3A_324 = arith.constant 0 : index
    %get3A_325 = vector.load %arg2[%get3A_321, %get3A_322, %get3A_323, %get3A_324] : memref<1x19x256x512xf32, #tpu.memory_space<vmem>>, vector<1x1x256x512xf32>
    %get3A_326 = vector.shape_cast %get3A_325 : vector<1x1x256x512xf32> to vector<256x512xf32>
    %eq3A_327 = arith.cmpf oeq, %get3A_326, %max3A_179 : vector<256x512xf32>
    %jit3A_328 = arith.constant 3 : i32
    %broadcast_in_dim3A_329 = vector.broadcast %jit3A_328 : i32 to vector<256x512xi32>
    %select_n3A_330 = arith.select %eq3A_327, %broadcast_in_dim3A_329, %select_n3A_320 : vector<256x512xi1>, vector<256x512xi32>
    %get3A_331 = arith.constant 0 : index
    %get3A_332 = arith.constant 2 : index
    %get3A_333 = arith.constant 0 : index
    %get3A_334 = arith.constant 0 : index
    %get3A_335 = vector.load %arg2[%get3A_331, %get3A_332, %get3A_333, %get3A_334] : memref<1x19x256x512xf32, #tpu.memory_space<vmem>>, vector<1x1x256x512xf32>
    %get3A_336 = vector.shape_cast %get3A_335 : vector<1x1x256x512xf32> to vector<256x512xf32>
    %eq3A_337 = arith.cmpf oeq, %get3A_336, %max3A_179 : vector<256x512xf32>
    %jit3A_338 = arith.constant 2 : i32
    %broadcast_in_dim3A_339 = vector.broadcast %jit3A_338 : i32 to vector<256x512xi32>
    %select_n3A_340 = arith.select %eq3A_337, %broadcast_in_dim3A_339, %select_n3A_330 : vector<256x512xi1>, vector<256x512xi32>
    %get3A_341 = arith.constant 0 : index
    %get3A_342 = arith.constant 1 : index
    %get3A_343 = arith.constant 0 : index
    %get3A_344 = arith.constant 0 : index
    %get3A_345 = vector.load %arg2[%get3A_341, %get3A_342, %get3A_343, %get3A_344] : memref<1x19x256x512xf32, #tpu.memory_space<vmem>>, vector<1x1x256x512xf32>
    %get3A_346 = vector.shape_cast %get3A_345 : vector<1x1x256x512xf32> to vector<256x512xf32>
    %eq3A_347 = arith.cmpf oeq, %get3A_346, %max3A_179 : vector<256x512xf32>
    %jit3A_348 = arith.constant 1 : i32
    %broadcast_in_dim3A_349 = vector.broadcast %jit3A_348 : i32 to vector<256x512xi32>
    %select_n3A_350 = arith.select %eq3A_347, %broadcast_in_dim3A_349, %select_n3A_340 : vector<256x512xi1>, vector<256x512xi32>
    %get3A_351 = arith.constant 0 : index
    %get3A_352 = arith.constant 0 : index
    %get3A_353 = arith.constant 0 : index
    %get3A_354 = arith.constant 0 : index
    %get3A_355 = vector.load %arg2[%get3A_351, %get3A_352, %get3A_353, %get3A_354] : memref<1x19x256x512xf32, #tpu.memory_space<vmem>>, vector<1x1x256x512xf32>
    %get3A_356 = vector.shape_cast %get3A_355 : vector<1x1x256x512xf32> to vector<256x512xf32>
    %eq3A_357 = arith.cmpf oeq, %get3A_356, %max3A_179 : vector<256x512xf32>
    %jit3A_358 = arith.constant 0 : i32
    %broadcast_in_dim3A_359 = vector.broadcast %jit3A_358 : i32 to vector<256x512xi32>
    %select_n3A_360 = arith.select %eq3A_357, %broadcast_in_dim3A_359, %select_n3A_350 : vector<256x512xi1>, vector<256x512xi32>
    %iota3A = tpu.iota {dimensions = array<i32: 1>} : vector<256x512xi32>
    %and3A = arith.constant 15 : i32
    %and3A_361 = vector.broadcast %and3A : i32 to vector<256x512xi32>
    %and3A_362 = arith.andi %iota3A, %and3A_361 : vector<256x512xi32>
    %mul3A_363 = arith.constant 32 : i32
    %mul3A_364 = vector.broadcast %mul3A_363 : i32 to vector<256x512xi32>
    %mul3A_365 = arith.muli %and3A_362, %mul3A_364 : vector<256x512xi32>
    %add3A_366 = arith.addi %select_n3A_360, %mul3A_365 : vector<256x512xi32>
    %bitcast_convert_type3A = tpu.bitcast %add3A_182 : vector<256x512xf32> -> vector<256x512xi32>
    %swap3A = arith.constant 0 : index
    %swap3A_367 = arith.constant 0 : index
    %swap3A_368 = vector.load %arg3[%swap3A, %swap3A_367] : memref<256x512xf32, #tpu.memory_space<vmem>>, vector<256x512xf32>
    tpu.vector_store %arg3[%swap3A, %swap3A_367], %add3A_180 {strides = array<i32>} : memref<256x512xf32, #tpu.memory_space<vmem>>, vector<256x512xf32>,
    %and3A_369 = arith.constant -512 : i32
    %and3A_370 = vector.broadcast %and3A_369 : i32 to vector<256x512xi32>
    %and3A_371 = arith.andi %bitcast_convert_type3A, %and3A_370 : vector<256x512xi32>
    %or3A = arith.ori %and3A_371, %add3A_366 : vector<256x512xi32>
    %swap3A_372 = arith.constant 0 : index
    %swap3A_373 = arith.constant 0 : index
    %swap3A_374 = vector.load %arg4[%swap3A_372, %swap3A_373] : memref<256x512xi32, #tpu.memory_space<vmem>>, vector<256x512xi32>
    tpu.vector_store %arg4[%swap3A_372, %swap3A_373], %or3A {strides = array<i32>} : memref<256x512xi32, #tpu.memory_space<vmem>>, vector<256x512xi32>,
    return
  }
  func.func @transform_0(%arg0: i32, %arg1: i32) -> (i32, i32, i32, i32) {
    %c0_i32 = arith.constant 0 : i32
    %c0_i32_0 = arith.constant 0 : i32
    %c0_i32_1 = arith.constant 0 : i32
    return %arg0, %c0_i32, %arg1, %c0_i32_0 : i32, i32, i32, i32
  }
  func.func @transform_1(%arg0: i32, %arg1: i32) -> (i32, i32) {
    %mul3A = arith.constant 2 : i32
    %mul3A_0 = arith.muli %arg0, %mul3A : i32
    %add3A = arith.addi %mul3A_0, %arg1 : i32
    %c0_i32 = arith.constant 0 : i32
    %c0_i32_1 = arith.constant 0 : i32
    return %add3A, %c0_i32 : i32, i32
  }
  func.func @transform_2(%arg0: i32, %arg1: i32) -> (i32, i32) {
    %mul3A = arith.constant 2 : i32
    %mul3A_0 = arith.muli %arg0, %mul3A : i32
    %add3A = arith.addi %mul3A_0, %arg1 : i32
    %c0_i32 = arith.constant 0 : i32
    %c0_i32_1 = arith.constant 0 : i32
    return %add3A, %c0_i32 : i32, i32
  }
}

module attributes {stable_mosaic.version = 14 : i64} {
  func.func @_stage3_body(%arg0: memref<32x1536xf32, #tpu.memory_space<vmem>>, %arg1: memref<1x1xf32, #tpu.memory_space<smem>>) attributes {dimension_semantics = [], scalar_prefetch = 0 : i64, scratch_operands = 0 : i64, tpu.core_type = #tpu.core_type<tc>} {
    %get3A = arith.constant 0 : index
    %get3A_0 = arith.constant 0 : index
    %get3A_1 = vector.load %arg0[%get3A, %get3A_0] : memref<32x1536xf32, #tpu.memory_space<vmem>>, vector<8x1536xf32>
    %reduce_sum3A = arith.constant dense<0.000000e+00> : vector<1536xf32>
    %reduce_sum3A_2 = vector.multi_reduction <add>, %get3A_1, %reduce_sum3A [0] : vector<8x1536xf32> to vector<1536xf32>
    %broadcast_in_dim3A = vector.shape_cast %reduce_sum3A_2 : vector<1536xf32> to vector<1x1536xf32>
    %slice3A = vector.extract_strided_slice %broadcast_in_dim3A {offsets = [0, 0], sizes = [1, 512], strides = [1, 1]} : vector<1x1536xf32> to vector<1x512xf32>
    %slice3A_3 = vector.extract_strided_slice %slice3A {offsets = [0, 0], sizes = [1, 32], strides = [1, 1]} : vector<1x512xf32> to vector<1x32xf32>
    %slice3A_4 = vector.extract_strided_slice %slice3A {offsets = [0, 32], sizes = [1, 32], strides = [1, 1]} : vector<1x512xf32> to vector<1x32xf32>
    %add3A = arith.addf %slice3A_3, %slice3A_4 : vector<1x32xf32>
    %slice3A_5 = vector.extract_strided_slice %slice3A {offsets = [0, 64], sizes = [1, 32], strides = [1, 1]} : vector<1x512xf32> to vector<1x32xf32>
    %add3A_6 = arith.addf %add3A, %slice3A_5 : vector<1x32xf32>
    %slice3A_7 = vector.extract_strided_slice %slice3A {offsets = [0, 96], sizes = [1, 32], strides = [1, 1]} : vector<1x512xf32> to vector<1x32xf32>
    %add3A_8 = arith.addf %add3A_6, %slice3A_7 : vector<1x32xf32>
    %slice3A_9 = vector.extract_strided_slice %slice3A {offsets = [0, 128], sizes = [1, 32], strides = [1, 1]} : vector<1x512xf32> to vector<1x32xf32>
    %add3A_10 = arith.addf %add3A_8, %slice3A_9 : vector<1x32xf32>
    %slice3A_11 = vector.extract_strided_slice %slice3A {offsets = [0, 160], sizes = [1, 32], strides = [1, 1]} : vector<1x512xf32> to vector<1x32xf32>
    %add3A_12 = arith.addf %add3A_10, %slice3A_11 : vector<1x32xf32>
    %slice3A_13 = vector.extract_strided_slice %slice3A {offsets = [0, 192], sizes = [1, 32], strides = [1, 1]} : vector<1x512xf32> to vector<1x32xf32>
    %add3A_14 = arith.addf %add3A_12, %slice3A_13 : vector<1x32xf32>
    %slice3A_15 = vector.extract_strided_slice %slice3A {offsets = [0, 224], sizes = [1, 32], strides = [1, 1]} : vector<1x512xf32> to vector<1x32xf32>
    %add3A_16 = arith.addf %add3A_14, %slice3A_15 : vector<1x32xf32>
    %slice3A_17 = vector.extract_strided_slice %slice3A {offsets = [0, 256], sizes = [1, 32], strides = [1, 1]} : vector<1x512xf32> to vector<1x32xf32>
    %add3A_18 = arith.addf %add3A_16, %slice3A_17 : vector<1x32xf32>
    %slice3A_19 = vector.extract_strided_slice %slice3A {offsets = [0, 288], sizes = [1, 32], strides = [1, 1]} : vector<1x512xf32> to vector<1x32xf32>
    %add3A_20 = arith.addf %add3A_18, %slice3A_19 : vector<1x32xf32>
    %slice3A_21 = vector.extract_strided_slice %slice3A {offsets = [0, 320], sizes = [1, 32], strides = [1, 1]} : vector<1x512xf32> to vector<1x32xf32>
    %add3A_22 = arith.addf %add3A_20, %slice3A_21 : vector<1x32xf32>
    %slice3A_23 = vector.extract_strided_slice %slice3A {offsets = [0, 352], sizes = [1, 32], strides = [1, 1]} : vector<1x512xf32> to vector<1x32xf32>
    %add3A_24 = arith.addf %add3A_22, %slice3A_23 : vector<1x32xf32>
    %slice3A_25 = vector.extract_strided_slice %slice3A {offsets = [0, 384], sizes = [1, 32], strides = [1, 1]} : vector<1x512xf32> to vector<1x32xf32>
    %add3A_26 = arith.addf %add3A_24, %slice3A_25 : vector<1x32xf32>
    %slice3A_27 = vector.extract_strided_slice %slice3A {offsets = [0, 416], sizes = [1, 32], strides = [1, 1]} : vector<1x512xf32> to vector<1x32xf32>
    %add3A_28 = arith.addf %add3A_26, %slice3A_27 : vector<1x32xf32>
    %slice3A_29 = vector.extract_strided_slice %slice3A {offsets = [0, 448], sizes = [1, 32], strides = [1, 1]} : vector<1x512xf32> to vector<1x32xf32>
    %add3A_30 = arith.addf %add3A_28, %slice3A_29 : vector<1x32xf32>
    %slice3A_31 = vector.extract_strided_slice %slice3A {offsets = [0, 480], sizes = [1, 32], strides = [1, 1]} : vector<1x512xf32> to vector<1x32xf32>
    %add3A_32 = arith.addf %add3A_30, %slice3A_31 : vector<1x32xf32>
    %mul3A = arith.constant 1.900000e+01 : f32
    %mul3A_33 = vector.broadcast %mul3A : f32 to vector<1x32xf32>
    %mul3A_34 = arith.mulf %add3A_32, %mul3A_33 : vector<1x32xf32>
    %slice3A_35 = vector.extract_strided_slice %broadcast_in_dim3A {offsets = [0, 512], sizes = [1, 512], strides = [1, 1]} : vector<1x1536xf32> to vector<1x512xf32>
    %slice3A_36 = vector.extract_strided_slice %slice3A_35 {offsets = [0, 0], sizes = [1, 32], strides = [1, 1]} : vector<1x512xf32> to vector<1x32xf32>
    %slice3A_37 = vector.extract_strided_slice %slice3A_35 {offsets = [0, 32], sizes = [1, 32], strides = [1, 1]} : vector<1x512xf32> to vector<1x32xf32>
    %add3A_38 = arith.addf %slice3A_36, %slice3A_37 : vector<1x32xf32>
    %slice3A_39 = vector.extract_strided_slice %slice3A_35 {offsets = [0, 64], sizes = [1, 32], strides = [1, 1]} : vector<1x512xf32> to vector<1x32xf32>
    %add3A_40 = arith.addf %add3A_38, %slice3A_39 : vector<1x32xf32>
    %slice3A_41 = vector.extract_strided_slice %slice3A_35 {offsets = [0, 96], sizes = [1, 32], strides = [1, 1]} : vector<1x512xf32> to vector<1x32xf32>
    %add3A_42 = arith.addf %add3A_40, %slice3A_41 : vector<1x32xf32>
    %slice3A_43 = vector.extract_strided_slice %slice3A_35 {offsets = [0, 128], sizes = [1, 32], strides = [1, 1]} : vector<1x512xf32> to vector<1x32xf32>
    %add3A_44 = arith.addf %add3A_42, %slice3A_43 : vector<1x32xf32>
    %slice3A_45 = vector.extract_strided_slice %slice3A_35 {offsets = [0, 160], sizes = [1, 32], strides = [1, 1]} : vector<1x512xf32> to vector<1x32xf32>
    %add3A_46 = arith.addf %add3A_44, %slice3A_45 : vector<1x32xf32>
    %slice3A_47 = vector.extract_strided_slice %slice3A_35 {offsets = [0, 192], sizes = [1, 32], strides = [1, 1]} : vector<1x512xf32> to vector<1x32xf32>
    %add3A_48 = arith.addf %add3A_46, %slice3A_47 : vector<1x32xf32>
    %slice3A_49 = vector.extract_strided_slice %slice3A_35 {offsets = [0, 224], sizes = [1, 32], strides = [1, 1]} : vector<1x512xf32> to vector<1x32xf32>
    %add3A_50 = arith.addf %add3A_48, %slice3A_49 : vector<1x32xf32>
    %slice3A_51 = vector.extract_strided_slice %slice3A_35 {offsets = [0, 256], sizes = [1, 32], strides = [1, 1]} : vector<1x512xf32> to vector<1x32xf32>
    %add3A_52 = arith.addf %add3A_50, %slice3A_51 : vector<1x32xf32>
    %slice3A_53 = vector.extract_strided_slice %slice3A_35 {offsets = [0, 288], sizes = [1, 32], strides = [1, 1]} : vector<1x512xf32> to vector<1x32xf32>
    %add3A_54 = arith.addf %add3A_52, %slice3A_53 : vector<1x32xf32>
    %slice3A_55 = vector.extract_strided_slice %slice3A_35 {offsets = [0, 320], sizes = [1, 32], strides = [1, 1]} : vector<1x512xf32> to vector<1x32xf32>
    %add3A_56 = arith.addf %add3A_54, %slice3A_55 : vector<1x32xf32>
    %slice3A_57 = vector.extract_strided_slice %slice3A_35 {offsets = [0, 352], sizes = [1, 32], strides = [1, 1]} : vector<1x512xf32> to vector<1x32xf32>
    %add3A_58 = arith.addf %add3A_56, %slice3A_57 : vector<1x32xf32>
    %slice3A_59 = vector.extract_strided_slice %slice3A_35 {offsets = [0, 384], sizes = [1, 32], strides = [1, 1]} : vector<1x512xf32> to vector<1x32xf32>
    %add3A_60 = arith.addf %add3A_58, %slice3A_59 : vector<1x32xf32>
    %slice3A_61 = vector.extract_strided_slice %slice3A_35 {offsets = [0, 416], sizes = [1, 32], strides = [1, 1]} : vector<1x512xf32> to vector<1x32xf32>
    %add3A_62 = arith.addf %add3A_60, %slice3A_61 : vector<1x32xf32>
    %slice3A_63 = vector.extract_strided_slice %slice3A_35 {offsets = [0, 448], sizes = [1, 32], strides = [1, 1]} : vector<1x512xf32> to vector<1x32xf32>
    %add3A_64 = arith.addf %add3A_62, %slice3A_63 : vector<1x32xf32>
    %slice3A_65 = vector.extract_strided_slice %slice3A_35 {offsets = [0, 480], sizes = [1, 32], strides = [1, 1]} : vector<1x512xf32> to vector<1x32xf32>
    %add3A_66 = arith.addf %add3A_64, %slice3A_65 : vector<1x32xf32>
    %slice3A_67 = vector.extract_strided_slice %broadcast_in_dim3A {offsets = [0, 1024], sizes = [1, 512], strides = [1, 1]} : vector<1x1536xf32> to vector<1x512xf32>
    %slice3A_68 = vector.extract_strided_slice %slice3A_67 {offsets = [0, 0], sizes = [1, 32], strides = [1, 1]} : vector<1x512xf32> to vector<1x32xf32>
    %slice3A_69 = vector.extract_strided_slice %slice3A_67 {offsets = [0, 32], sizes = [1, 32], strides = [1, 1]} : vector<1x512xf32> to vector<1x32xf32>
    %add3A_70 = arith.addf %slice3A_68, %slice3A_69 : vector<1x32xf32>
    %slice3A_71 = vector.extract_strided_slice %slice3A_67 {offsets = [0, 64], sizes = [1, 32], strides = [1, 1]} : vector<1x512xf32> to vector<1x32xf32>
    %add3A_72 = arith.addf %add3A_70, %slice3A_71 : vector<1x32xf32>
    %slice3A_73 = vector.extract_strided_slice %slice3A_67 {offsets = [0, 96], sizes = [1, 32], strides = [1, 1]} : vector<1x512xf32> to vector<1x32xf32>
    %add3A_74 = arith.addf %add3A_72, %slice3A_73 : vector<1x32xf32>
    %slice3A_75 = vector.extract_strided_slice %slice3A_67 {offsets = [0, 128], sizes = [1, 32], strides = [1, 1]} : vector<1x512xf32> to vector<1x32xf32>
    %add3A_76 = arith.addf %add3A_74, %slice3A_75 : vector<1x32xf32>
    %slice3A_77 = vector.extract_strided_slice %slice3A_67 {offsets = [0, 160], sizes = [1, 32], strides = [1, 1]} : vector<1x512xf32> to vector<1x32xf32>
    %add3A_78 = arith.addf %add3A_76, %slice3A_77 : vector<1x32xf32>
    %slice3A_79 = vector.extract_strided_slice %slice3A_67 {offsets = [0, 192], sizes = [1, 32], strides = [1, 1]} : vector<1x512xf32> to vector<1x32xf32>
    %add3A_80 = arith.addf %add3A_78, %slice3A_79 : vector<1x32xf32>
    %slice3A_81 = vector.extract_strided_slice %slice3A_67 {offsets = [0, 224], sizes = [1, 32], strides = [1, 1]} : vector<1x512xf32> to vector<1x32xf32>
    %add3A_82 = arith.addf %add3A_80, %slice3A_81 : vector<1x32xf32>
    %slice3A_83 = vector.extract_strided_slice %slice3A_67 {offsets = [0, 256], sizes = [1, 32], strides = [1, 1]} : vector<1x512xf32> to vector<1x32xf32>
    %add3A_84 = arith.addf %add3A_82, %slice3A_83 : vector<1x32xf32>
    %slice3A_85 = vector.extract_strided_slice %slice3A_67 {offsets = [0, 288], sizes = [1, 32], strides = [1, 1]} : vector<1x512xf32> to vector<1x32xf32>
    %add3A_86 = arith.addf %add3A_84, %slice3A_85 : vector<1x32xf32>
    %slice3A_87 = vector.extract_strided_slice %slice3A_67 {offsets = [0, 320], sizes = [1, 32], strides = [1, 1]} : vector<1x512xf32> to vector<1x32xf32>
    %add3A_88 = arith.addf %add3A_86, %slice3A_87 : vector<1x32xf32>
    %slice3A_89 = vector.extract_strided_slice %slice3A_67 {offsets = [0, 352], sizes = [1, 32], strides = [1, 1]} : vector<1x512xf32> to vector<1x32xf32>
    %add3A_90 = arith.addf %add3A_88, %slice3A_89 : vector<1x32xf32>
    %slice3A_91 = vector.extract_strided_slice %slice3A_67 {offsets = [0, 384], sizes = [1, 32], strides = [1, 1]} : vector<1x512xf32> to vector<1x32xf32>
    %add3A_92 = arith.addf %add3A_90, %slice3A_91 : vector<1x32xf32>
    %slice3A_93 = vector.extract_strided_slice %slice3A_67 {offsets = [0, 416], sizes = [1, 32], strides = [1, 1]} : vector<1x512xf32> to vector<1x32xf32>
    %add3A_94 = arith.addf %add3A_92, %slice3A_93 : vector<1x32xf32>
    %slice3A_95 = vector.extract_strided_slice %slice3A_67 {offsets = [0, 448], sizes = [1, 32], strides = [1, 1]} : vector<1x512xf32> to vector<1x32xf32>
    %add3A_96 = arith.addf %add3A_94, %slice3A_95 : vector<1x32xf32>
    %slice3A_97 = vector.extract_strided_slice %slice3A_67 {offsets = [0, 480], sizes = [1, 32], strides = [1, 1]} : vector<1x512xf32> to vector<1x32xf32>
    %add3A_98 = arith.addf %add3A_96, %slice3A_97 : vector<1x32xf32>
    %mul3A_99 = arith.mulf %add3A_66, %add3A_66 : vector<1x32xf32>
    %div3A = arith.divf %mul3A_99, %mul3A_34 : vector<1x32xf32>
    %sub3A = arith.subf %add3A_98, %div3A : vector<1x32xf32>
    %sqrt3A = math.sqrt %sub3A : vector<1x32xf32>
    %iota3A = tpu.iota {dimensions = array<i32: 1>} : vector<1x32xi32>
    %lt3A = arith.constant 19 : i32
    %lt3A_100 = vector.broadcast %lt3A : i32 to vector<1x32xi32>
    %lt3A_101 = arith.cmpi slt, %iota3A, %lt3A_100 : vector<1x32xi32>
    %jit3A = arith.constant 0.000000e+00 : f32
    %broadcast_in_dim3A_102 = vector.broadcast %jit3A : f32 to vector<1x32xf32>
    %select_n3A = arith.select %lt3A_101, %sqrt3A, %broadcast_in_dim3A_102 : vector<1x32xi1>, vector<1x32xf32>
    %reduce_sum3A_103 = vector.shape_cast %select_n3A : vector<1x32xf32> to vector<1x1x32xf32>
    %reduce_sum3A_104 = arith.constant dense<0.000000e+00> : vector<1xf32>
    %reduce_sum3A_105 = vector.multi_reduction <add>, %reduce_sum3A_103, %reduce_sum3A_104 [1, 2] : vector<1x1x32xf32> to vector<1xf32>
    %reduce_sum3A_106 = vector.shape_cast %reduce_sum3A_105 : vector<1xf32> to vector<1x1x1xf32>
    %reduce_sum3A_107 = vector.extract %reduce_sum3A_106[0, 0, 0] : f32 from vector<1x1x1xf32>
    %add3A_108 = arith.constant 0.000000e+00 : f32
    %add3A_109 = arith.addf %add3A_108, %reduce_sum3A_107 : f32
    %get3A_110 = arith.constant 8 : index
    %get3A_111 = arith.constant 0 : index
    %get3A_112 = vector.load %arg0[%get3A_110, %get3A_111] : memref<32x1536xf32, #tpu.memory_space<vmem>>, vector<8x1536xf32>
    %reduce_sum3A_113 = arith.constant dense<0.000000e+00> : vector<1536xf32>
    %reduce_sum3A_114 = vector.multi_reduction <add>, %get3A_112, %reduce_sum3A_113 [0] : vector<8x1536xf32> to vector<1536xf32>
    %broadcast_in_dim3A_115 = vector.shape_cast %reduce_sum3A_114 : vector<1536xf32> to vector<1x1536xf32>
    %slice3A_116 = vector.extract_strided_slice %broadcast_in_dim3A_115 {offsets = [0, 0], sizes = [1, 512], strides = [1, 1]} : vector<1x1536xf32> to vector<1x512xf32>
    %slice3A_117 = vector.extract_strided_slice %slice3A_116 {offsets = [0, 0], sizes = [1, 32], strides = [1, 1]} : vector<1x512xf32> to vector<1x32xf32>
    %slice3A_118 = vector.extract_strided_slice %slice3A_116 {offsets = [0, 32], sizes = [1, 32], strides = [1, 1]} : vector<1x512xf32> to vector<1x32xf32>
    %add3A_119 = arith.addf %slice3A_117, %slice3A_118 : vector<1x32xf32>
    %slice3A_120 = vector.extract_strided_slice %slice3A_116 {offsets = [0, 64], sizes = [1, 32], strides = [1, 1]} : vector<1x512xf32> to vector<1x32xf32>
    %add3A_121 = arith.addf %add3A_119, %slice3A_120 : vector<1x32xf32>
    %slice3A_122 = vector.extract_strided_slice %slice3A_116 {offsets = [0, 96], sizes = [1, 32], strides = [1, 1]} : vector<1x512xf32> to vector<1x32xf32>
    %add3A_123 = arith.addf %add3A_121, %slice3A_122 : vector<1x32xf32>
    %slice3A_124 = vector.extract_strided_slice %slice3A_116 {offsets = [0, 128], sizes = [1, 32], strides = [1, 1]} : vector<1x512xf32> to vector<1x32xf32>
    %add3A_125 = arith.addf %add3A_123, %slice3A_124 : vector<1x32xf32>
    %slice3A_126 = vector.extract_strided_slice %slice3A_116 {offsets = [0, 160], sizes = [1, 32], strides = [1, 1]} : vector<1x512xf32> to vector<1x32xf32>
    %add3A_127 = arith.addf %add3A_125, %slice3A_126 : vector<1x32xf32>
    %slice3A_128 = vector.extract_strided_slice %slice3A_116 {offsets = [0, 192], sizes = [1, 32], strides = [1, 1]} : vector<1x512xf32> to vector<1x32xf32>
    %add3A_129 = arith.addf %add3A_127, %slice3A_128 : vector<1x32xf32>
    %slice3A_130 = vector.extract_strided_slice %slice3A_116 {offsets = [0, 224], sizes = [1, 32], strides = [1, 1]} : vector<1x512xf32> to vector<1x32xf32>
    %add3A_131 = arith.addf %add3A_129, %slice3A_130 : vector<1x32xf32>
    %slice3A_132 = vector.extract_strided_slice %slice3A_116 {offsets = [0, 256], sizes = [1, 32], strides = [1, 1]} : vector<1x512xf32> to vector<1x32xf32>
    %add3A_133 = arith.addf %add3A_131, %slice3A_132 : vector<1x32xf32>
    %slice3A_134 = vector.extract_strided_slice %slice3A_116 {offsets = [0, 288], sizes = [1, 32], strides = [1, 1]} : vector<1x512xf32> to vector<1x32xf32>
    %add3A_135 = arith.addf %add3A_133, %slice3A_134 : vector<1x32xf32>
    %slice3A_136 = vector.extract_strided_slice %slice3A_116 {offsets = [0, 320], sizes = [1, 32], strides = [1, 1]} : vector<1x512xf32> to vector<1x32xf32>
    %add3A_137 = arith.addf %add3A_135, %slice3A_136 : vector<1x32xf32>
    %slice3A_138 = vector.extract_strided_slice %slice3A_116 {offsets = [0, 352], sizes = [1, 32], strides = [1, 1]} : vector<1x512xf32> to vector<1x32xf32>
    %add3A_139 = arith.addf %add3A_137, %slice3A_138 : vector<1x32xf32>
    %slice3A_140 = vector.extract_strided_slice %slice3A_116 {offsets = [0, 384], sizes = [1, 32], strides = [1, 1]} : vector<1x512xf32> to vector<1x32xf32>
    %add3A_141 = arith.addf %add3A_139, %slice3A_140 : vector<1x32xf32>
    %slice3A_142 = vector.extract_strided_slice %slice3A_116 {offsets = [0, 416], sizes = [1, 32], strides = [1, 1]} : vector<1x512xf32> to vector<1x32xf32>
    %add3A_143 = arith.addf %add3A_141, %slice3A_142 : vector<1x32xf32>
    %slice3A_144 = vector.extract_strided_slice %slice3A_116 {offsets = [0, 448], sizes = [1, 32], strides = [1, 1]} : vector<1x512xf32> to vector<1x32xf32>
    %add3A_145 = arith.addf %add3A_143, %slice3A_144 : vector<1x32xf32>
    %slice3A_146 = vector.extract_strided_slice %slice3A_116 {offsets = [0, 480], sizes = [1, 32], strides = [1, 1]} : vector<1x512xf32> to vector<1x32xf32>
    %add3A_147 = arith.addf %add3A_145, %slice3A_146 : vector<1x32xf32>
    %mul3A_148 = arith.constant 1.900000e+01 : f32
    %mul3A_149 = vector.broadcast %mul3A_148 : f32 to vector<1x32xf32>
    %mul3A_150 = arith.mulf %add3A_147, %mul3A_149 : vector<1x32xf32>
    %slice3A_151 = vector.extract_strided_slice %broadcast_in_dim3A_115 {offsets = [0, 512], sizes = [1, 512], strides = [1, 1]} : vector<1x1536xf32> to vector<1x512xf32>
    %slice3A_152 = vector.extract_strided_slice %slice3A_151 {offsets = [0, 0], sizes = [1, 32], strides = [1, 1]} : vector<1x512xf32> to vector<1x32xf32>
    %slice3A_153 = vector.extract_strided_slice %slice3A_151 {offsets = [0, 32], sizes = [1, 32], strides = [1, 1]} : vector<1x512xf32> to vector<1x32xf32>
    %add3A_154 = arith.addf %slice3A_152, %slice3A_153 : vector<1x32xf32>
    %slice3A_155 = vector.extract_strided_slice %slice3A_151 {offsets = [0, 64], sizes = [1, 32], strides = [1, 1]} : vector<1x512xf32> to vector<1x32xf32>
    %add3A_156 = arith.addf %add3A_154, %slice3A_155 : vector<1x32xf32>
    %slice3A_157 = vector.extract_strided_slice %slice3A_151 {offsets = [0, 96], sizes = [1, 32], strides = [1, 1]} : vector<1x512xf32> to vector<1x32xf32>
    %add3A_158 = arith.addf %add3A_156, %slice3A_157 : vector<1x32xf32>
    %slice3A_159 = vector.extract_strided_slice %slice3A_151 {offsets = [0, 128], sizes = [1, 32], strides = [1, 1]} : vector<1x512xf32> to vector<1x32xf32>
    %add3A_160 = arith.addf %add3A_158, %slice3A_159 : vector<1x32xf32>
    %slice3A_161 = vector.extract_strided_slice %slice3A_151 {offsets = [0, 160], sizes = [1, 32], strides = [1, 1]} : vector<1x512xf32> to vector<1x32xf32>
    %add3A_162 = arith.addf %add3A_160, %slice3A_161 : vector<1x32xf32>
    %slice3A_163 = vector.extract_strided_slice %slice3A_151 {offsets = [0, 192], sizes = [1, 32], strides = [1, 1]} : vector<1x512xf32> to vector<1x32xf32>
    %add3A_164 = arith.addf %add3A_162, %slice3A_163 : vector<1x32xf32>
    %slice3A_165 = vector.extract_strided_slice %slice3A_151 {offsets = [0, 224], sizes = [1, 32], strides = [1, 1]} : vector<1x512xf32> to vector<1x32xf32>
    %add3A_166 = arith.addf %add3A_164, %slice3A_165 : vector<1x32xf32>
    %slice3A_167 = vector.extract_strided_slice %slice3A_151 {offsets = [0, 256], sizes = [1, 32], strides = [1, 1]} : vector<1x512xf32> to vector<1x32xf32>
    %add3A_168 = arith.addf %add3A_166, %slice3A_167 : vector<1x32xf32>
    %slice3A_169 = vector.extract_strided_slice %slice3A_151 {offsets = [0, 288], sizes = [1, 32], strides = [1, 1]} : vector<1x512xf32> to vector<1x32xf32>
    %add3A_170 = arith.addf %add3A_168, %slice3A_169 : vector<1x32xf32>
    %slice3A_171 = vector.extract_strided_slice %slice3A_151 {offsets = [0, 320], sizes = [1, 32], strides = [1, 1]} : vector<1x512xf32> to vector<1x32xf32>
    %add3A_172 = arith.addf %add3A_170, %slice3A_171 : vector<1x32xf32>
    %slice3A_173 = vector.extract_strided_slice %slice3A_151 {offsets = [0, 352], sizes = [1, 32], strides = [1, 1]} : vector<1x512xf32> to vector<1x32xf32>
    %add3A_174 = arith.addf %add3A_172, %slice3A_173 : vector<1x32xf32>
    %slice3A_175 = vector.extract_strided_slice %slice3A_151 {offsets = [0, 384], sizes = [1, 32], strides = [1, 1]} : vector<1x512xf32> to vector<1x32xf32>
    %add3A_176 = arith.addf %add3A_174, %slice3A_175 : vector<1x32xf32>
    %slice3A_177 = vector.extract_strided_slice %slice3A_151 {offsets = [0, 416], sizes = [1, 32], strides = [1, 1]} : vector<1x512xf32> to vector<1x32xf32>
    %add3A_178 = arith.addf %add3A_176, %slice3A_177 : vector<1x32xf32>
    %slice3A_179 = vector.extract_strided_slice %slice3A_151 {offsets = [0, 448], sizes = [1, 32], strides = [1, 1]} : vector<1x512xf32> to vector<1x32xf32>
    %add3A_180 = arith.addf %add3A_178, %slice3A_179 : vector<1x32xf32>
    %slice3A_181 = vector.extract_strided_slice %slice3A_151 {offsets = [0, 480], sizes = [1, 32], strides = [1, 1]} : vector<1x512xf32> to vector<1x32xf32>
    %add3A_182 = arith.addf %add3A_180, %slice3A_181 : vector<1x32xf32>
    %slice3A_183 = vector.extract_strided_slice %broadcast_in_dim3A_115 {offsets = [0, 1024], sizes = [1, 512], strides = [1, 1]} : vector<1x1536xf32> to vector<1x512xf32>
    %slice3A_184 = vector.extract_strided_slice %slice3A_183 {offsets = [0, 0], sizes = [1, 32], strides = [1, 1]} : vector<1x512xf32> to vector<1x32xf32>
    %slice3A_185 = vector.extract_strided_slice %slice3A_183 {offsets = [0, 32], sizes = [1, 32], strides = [1, 1]} : vector<1x512xf32> to vector<1x32xf32>
    %add3A_186 = arith.addf %slice3A_184, %slice3A_185 : vector<1x32xf32>
    %slice3A_187 = vector.extract_strided_slice %slice3A_183 {offsets = [0, 64], sizes = [1, 32], strides = [1, 1]} : vector<1x512xf32> to vector<1x32xf32>
    %add3A_188 = arith.addf %add3A_186, %slice3A_187 : vector<1x32xf32>
    %slice3A_189 = vector.extract_strided_slice %slice3A_183 {offsets = [0, 96], sizes = [1, 32], strides = [1, 1]} : vector<1x512xf32> to vector<1x32xf32>
    %add3A_190 = arith.addf %add3A_188, %slice3A_189 : vector<1x32xf32>
    %slice3A_191 = vector.extract_strided_slice %slice3A_183 {offsets = [0, 128], sizes = [1, 32], strides = [1, 1]} : vector<1x512xf32> to vector<1x32xf32>
    %add3A_192 = arith.addf %add3A_190, %slice3A_191 : vector<1x32xf32>
    %slice3A_193 = vector.extract_strided_slice %slice3A_183 {offsets = [0, 160], sizes = [1, 32], strides = [1, 1]} : vector<1x512xf32> to vector<1x32xf32>
    %add3A_194 = arith.addf %add3A_192, %slice3A_193 : vector<1x32xf32>
    %slice3A_195 = vector.extract_strided_slice %slice3A_183 {offsets = [0, 192], sizes = [1, 32], strides = [1, 1]} : vector<1x512xf32> to vector<1x32xf32>
    %add3A_196 = arith.addf %add3A_194, %slice3A_195 : vector<1x32xf32>
    %slice3A_197 = vector.extract_strided_slice %slice3A_183 {offsets = [0, 224], sizes = [1, 32], strides = [1, 1]} : vector<1x512xf32> to vector<1x32xf32>
    %add3A_198 = arith.addf %add3A_196, %slice3A_197 : vector<1x32xf32>
    %slice3A_199 = vector.extract_strided_slice %slice3A_183 {offsets = [0, 256], sizes = [1, 32], strides = [1, 1]} : vector<1x512xf32> to vector<1x32xf32>
    %add3A_200 = arith.addf %add3A_198, %slice3A_199 : vector<1x32xf32>
    %slice3A_201 = vector.extract_strided_slice %slice3A_183 {offsets = [0, 288], sizes = [1, 32], strides = [1, 1]} : vector<1x512xf32> to vector<1x32xf32>
    %add3A_202 = arith.addf %add3A_200, %slice3A_201 : vector<1x32xf32>
    %slice3A_203 = vector.extract_strided_slice %slice3A_183 {offsets = [0, 320], sizes = [1, 32], strides = [1, 1]} : vector<1x512xf32> to vector<1x32xf32>
    %add3A_204 = arith.addf %add3A_202, %slice3A_203 : vector<1x32xf32>
    %slice3A_205 = vector.extract_strided_slice %slice3A_183 {offsets = [0, 352], sizes = [1, 32], strides = [1, 1]} : vector<1x512xf32> to vector<1x32xf32>
    %add3A_206 = arith.addf %add3A_204, %slice3A_205 : vector<1x32xf32>
    %slice3A_207 = vector.extract_strided_slice %slice3A_183 {offsets = [0, 384], sizes = [1, 32], strides = [1, 1]} : vector<1x512xf32> to vector<1x32xf32>
    %add3A_208 = arith.addf %add3A_206, %slice3A_207 : vector<1x32xf32>
    %slice3A_209 = vector.extract_strided_slice %slice3A_183 {offsets = [0, 416], sizes = [1, 32], strides = [1, 1]} : vector<1x512xf32> to vector<1x32xf32>
    %add3A_210 = arith.addf %add3A_208, %slice3A_209 : vector<1x32xf32>
    %slice3A_211 = vector.extract_strided_slice %slice3A_183 {offsets = [0, 448], sizes = [1, 32], strides = [1, 1]} : vector<1x512xf32> to vector<1x32xf32>
    %add3A_212 = arith.addf %add3A_210, %slice3A_211 : vector<1x32xf32>
    %slice3A_213 = vector.extract_strided_slice %slice3A_183 {offsets = [0, 480], sizes = [1, 32], strides = [1, 1]} : vector<1x512xf32> to vector<1x32xf32>
    %add3A_214 = arith.addf %add3A_212, %slice3A_213 : vector<1x32xf32>
    %mul3A_215 = arith.mulf %add3A_182, %add3A_182 : vector<1x32xf32>
    %div3A_216 = arith.divf %mul3A_215, %mul3A_150 : vector<1x32xf32>
    %sub3A_217 = arith.subf %add3A_214, %div3A_216 : vector<1x32xf32>
    %sqrt3A_218 = math.sqrt %sub3A_217 : vector<1x32xf32>
    %iota3A_219 = tpu.iota {dimensions = array<i32: 1>} : vector<1x32xi32>
    %lt3A_220 = arith.constant 19 : i32
    %lt3A_221 = vector.broadcast %lt3A_220 : i32 to vector<1x32xi32>
    %lt3A_222 = arith.cmpi slt, %iota3A_219, %lt3A_221 : vector<1x32xi32>
    %jit3A_223 = arith.constant 0.000000e+00 : f32
    %broadcast_in_dim3A_224 = vector.broadcast %jit3A_223 : f32 to vector<1x32xf32>
    %select_n3A_225 = arith.select %lt3A_222, %sqrt3A_218, %broadcast_in_dim3A_224 : vector<1x32xi1>, vector<1x32xf32>
    %reduce_sum3A_226 = vector.shape_cast %select_n3A_225 : vector<1x32xf32> to vector<1x1x32xf32>
    %reduce_sum3A_227 = arith.constant dense<0.000000e+00> : vector<1xf32>
    %reduce_sum3A_228 = vector.multi_reduction <add>, %reduce_sum3A_226, %reduce_sum3A_227 [1, 2] : vector<1x1x32xf32> to vector<1xf32>
    %reduce_sum3A_229 = vector.shape_cast %reduce_sum3A_228 : vector<1xf32> to vector<1x1x1xf32>
    %reduce_sum3A_230 = vector.extract %reduce_sum3A_229[0, 0, 0] : f32 from vector<1x1x1xf32>
    %add3A_231 = arith.addf %add3A_109, %reduce_sum3A_230 : f32
    %get3A_232 = arith.constant 16 : index
    %get3A_233 = arith.constant 0 : index
    %get3A_234 = vector.load %arg0[%get3A_232, %get3A_233] : memref<32x1536xf32, #tpu.memory_space<vmem>>, vector<8x1536xf32>
    %reduce_sum3A_235 = arith.constant dense<0.000000e+00> : vector<1536xf32>
    %reduce_sum3A_236 = vector.multi_reduction <add>, %get3A_234, %reduce_sum3A_235 [0] : vector<8x1536xf32> to vector<1536xf32>
    %broadcast_in_dim3A_237 = vector.shape_cast %reduce_sum3A_236 : vector<1536xf32> to vector<1x1536xf32>
    %slice3A_238 = vector.extract_strided_slice %broadcast_in_dim3A_237 {offsets = [0, 0], sizes = [1, 512], strides = [1, 1]} : vector<1x1536xf32> to vector<1x512xf32>
    %slice3A_239 = vector.extract_strided_slice %slice3A_238 {offsets = [0, 0], sizes = [1, 32], strides = [1, 1]} : vector<1x512xf32> to vector<1x32xf32>
    %slice3A_240 = vector.extract_strided_slice %slice3A_238 {offsets = [0, 32], sizes = [1, 32], strides = [1, 1]} : vector<1x512xf32> to vector<1x32xf32>
    %add3A_241 = arith.addf %slice3A_239, %slice3A_240 : vector<1x32xf32>
    %slice3A_242 = vector.extract_strided_slice %slice3A_238 {offsets = [0, 64], sizes = [1, 32], strides = [1, 1]} : vector<1x512xf32> to vector<1x32xf32>
    %add3A_243 = arith.addf %add3A_241, %slice3A_242 : vector<1x32xf32>
    %slice3A_244 = vector.extract_strided_slice %slice3A_238 {offsets = [0, 96], sizes = [1, 32], strides = [1, 1]} : vector<1x512xf32> to vector<1x32xf32>
    %add3A_245 = arith.addf %add3A_243, %slice3A_244 : vector<1x32xf32>
    %slice3A_246 = vector.extract_strided_slice %slice3A_238 {offsets = [0, 128], sizes = [1, 32], strides = [1, 1]} : vector<1x512xf32> to vector<1x32xf32>
    %add3A_247 = arith.addf %add3A_245, %slice3A_246 : vector<1x32xf32>
    %slice3A_248 = vector.extract_strided_slice %slice3A_238 {offsets = [0, 160], sizes = [1, 32], strides = [1, 1]} : vector<1x512xf32> to vector<1x32xf32>
    %add3A_249 = arith.addf %add3A_247, %slice3A_248 : vector<1x32xf32>
    %slice3A_250 = vector.extract_strided_slice %slice3A_238 {offsets = [0, 192], sizes = [1, 32], strides = [1, 1]} : vector<1x512xf32> to vector<1x32xf32>
    %add3A_251 = arith.addf %add3A_249, %slice3A_250 : vector<1x32xf32>
    %slice3A_252 = vector.extract_strided_slice %slice3A_238 {offsets = [0, 224], sizes = [1, 32], strides = [1, 1]} : vector<1x512xf32> to vector<1x32xf32>
    %add3A_253 = arith.addf %add3A_251, %slice3A_252 : vector<1x32xf32>
    %slice3A_254 = vector.extract_strided_slice %slice3A_238 {offsets = [0, 256], sizes = [1, 32], strides = [1, 1]} : vector<1x512xf32> to vector<1x32xf32>
    %add3A_255 = arith.addf %add3A_253, %slice3A_254 : vector<1x32xf32>
    %slice3A_256 = vector.extract_strided_slice %slice3A_238 {offsets = [0, 288], sizes = [1, 32], strides = [1, 1]} : vector<1x512xf32> to vector<1x32xf32>
    %add3A_257 = arith.addf %add3A_255, %slice3A_256 : vector<1x32xf32>
    %slice3A_258 = vector.extract_strided_slice %slice3A_238 {offsets = [0, 320], sizes = [1, 32], strides = [1, 1]} : vector<1x512xf32> to vector<1x32xf32>
    %add3A_259 = arith.addf %add3A_257, %slice3A_258 : vector<1x32xf32>
    %slice3A_260 = vector.extract_strided_slice %slice3A_238 {offsets = [0, 352], sizes = [1, 32], strides = [1, 1]} : vector<1x512xf32> to vector<1x32xf32>
    %add3A_261 = arith.addf %add3A_259, %slice3A_260 : vector<1x32xf32>
    %slice3A_262 = vector.extract_strided_slice %slice3A_238 {offsets = [0, 384], sizes = [1, 32], strides = [1, 1]} : vector<1x512xf32> to vector<1x32xf32>
    %add3A_263 = arith.addf %add3A_261, %slice3A_262 : vector<1x32xf32>
    %slice3A_264 = vector.extract_strided_slice %slice3A_238 {offsets = [0, 416], sizes = [1, 32], strides = [1, 1]} : vector<1x512xf32> to vector<1x32xf32>
    %add3A_265 = arith.addf %add3A_263, %slice3A_264 : vector<1x32xf32>
    %slice3A_266 = vector.extract_strided_slice %slice3A_238 {offsets = [0, 448], sizes = [1, 32], strides = [1, 1]} : vector<1x512xf32> to vector<1x32xf32>
    %add3A_267 = arith.addf %add3A_265, %slice3A_266 : vector<1x32xf32>
    %slice3A_268 = vector.extract_strided_slice %slice3A_238 {offsets = [0, 480], sizes = [1, 32], strides = [1, 1]} : vector<1x512xf32> to vector<1x32xf32>
    %add3A_269 = arith.addf %add3A_267, %slice3A_268 : vector<1x32xf32>
    %mul3A_270 = arith.constant 1.900000e+01 : f32
    %mul3A_271 = vector.broadcast %mul3A_270 : f32 to vector<1x32xf32>
    %mul3A_272 = arith.mulf %add3A_269, %mul3A_271 : vector<1x32xf32>
    %slice3A_273 = vector.extract_strided_slice %broadcast_in_dim3A_237 {offsets = [0, 512], sizes = [1, 512], strides = [1, 1]} : vector<1x1536xf32> to vector<1x512xf32>
    %slice3A_274 = vector.extract_strided_slice %slice3A_273 {offsets = [0, 0], sizes = [1, 32], strides = [1, 1]} : vector<1x512xf32> to vector<1x32xf32>
    %slice3A_275 = vector.extract_strided_slice %slice3A_273 {offsets = [0, 32], sizes = [1, 32], strides = [1, 1]} : vector<1x512xf32> to vector<1x32xf32>
    %add3A_276 = arith.addf %slice3A_274, %slice3A_275 : vector<1x32xf32>
    %slice3A_277 = vector.extract_strided_slice %slice3A_273 {offsets = [0, 64], sizes = [1, 32], strides = [1, 1]} : vector<1x512xf32> to vector<1x32xf32>
    %add3A_278 = arith.addf %add3A_276, %slice3A_277 : vector<1x32xf32>
    %slice3A_279 = vector.extract_strided_slice %slice3A_273 {offsets = [0, 96], sizes = [1, 32], strides = [1, 1]} : vector<1x512xf32> to vector<1x32xf32>
    %add3A_280 = arith.addf %add3A_278, %slice3A_279 : vector<1x32xf32>
    %slice3A_281 = vector.extract_strided_slice %slice3A_273 {offsets = [0, 128], sizes = [1, 32], strides = [1, 1]} : vector<1x512xf32> to vector<1x32xf32>
    %add3A_282 = arith.addf %add3A_280, %slice3A_281 : vector<1x32xf32>
    %slice3A_283 = vector.extract_strided_slice %slice3A_273 {offsets = [0, 160], sizes = [1, 32], strides = [1, 1]} : vector<1x512xf32> to vector<1x32xf32>
    %add3A_284 = arith.addf %add3A_282, %slice3A_283 : vector<1x32xf32>
    %slice3A_285 = vector.extract_strided_slice %slice3A_273 {offsets = [0, 192], sizes = [1, 32], strides = [1, 1]} : vector<1x512xf32> to vector<1x32xf32>
    %add3A_286 = arith.addf %add3A_284, %slice3A_285 : vector<1x32xf32>
    %slice3A_287 = vector.extract_strided_slice %slice3A_273 {offsets = [0, 224], sizes = [1, 32], strides = [1, 1]} : vector<1x512xf32> to vector<1x32xf32>
    %add3A_288 = arith.addf %add3A_286, %slice3A_287 : vector<1x32xf32>
    %slice3A_289 = vector.extract_strided_slice %slice3A_273 {offsets = [0, 256], sizes = [1, 32], strides = [1, 1]} : vector<1x512xf32> to vector<1x32xf32>
    %add3A_290 = arith.addf %add3A_288, %slice3A_289 : vector<1x32xf32>
    %slice3A_291 = vector.extract_strided_slice %slice3A_273 {offsets = [0, 288], sizes = [1, 32], strides = [1, 1]} : vector<1x512xf32> to vector<1x32xf32>
    %add3A_292 = arith.addf %add3A_290, %slice3A_291 : vector<1x32xf32>
    %slice3A_293 = vector.extract_strided_slice %slice3A_273 {offsets = [0, 320], sizes = [1, 32], strides = [1, 1]} : vector<1x512xf32> to vector<1x32xf32>
    %add3A_294 = arith.addf %add3A_292, %slice3A_293 : vector<1x32xf32>
    %slice3A_295 = vector.extract_strided_slice %slice3A_273 {offsets = [0, 352], sizes = [1, 32], strides = [1, 1]} : vector<1x512xf32> to vector<1x32xf32>
    %add3A_296 = arith.addf %add3A_294, %slice3A_295 : vector<1x32xf32>
    %slice3A_297 = vector.extract_strided_slice %slice3A_273 {offsets = [0, 384], sizes = [1, 32], strides = [1, 1]} : vector<1x512xf32> to vector<1x32xf32>
    %add3A_298 = arith.addf %add3A_296, %slice3A_297 : vector<1x32xf32>
    %slice3A_299 = vector.extract_strided_slice %slice3A_273 {offsets = [0, 416], sizes = [1, 32], strides = [1, 1]} : vector<1x512xf32> to vector<1x32xf32>
    %add3A_300 = arith.addf %add3A_298, %slice3A_299 : vector<1x32xf32>
    %slice3A_301 = vector.extract_strided_slice %slice3A_273 {offsets = [0, 448], sizes = [1, 32], strides = [1, 1]} : vector<1x512xf32> to vector<1x32xf32>
    %add3A_302 = arith.addf %add3A_300, %slice3A_301 : vector<1x32xf32>
    %slice3A_303 = vector.extract_strided_slice %slice3A_273 {offsets = [0, 480], sizes = [1, 32], strides = [1, 1]} : vector<1x512xf32> to vector<1x32xf32>
    %add3A_304 = arith.addf %add3A_302, %slice3A_303 : vector<1x32xf32>
    %slice3A_305 = vector.extract_strided_slice %broadcast_in_dim3A_237 {offsets = [0, 1024], sizes = [1, 512], strides = [1, 1]} : vector<1x1536xf32> to vector<1x512xf32>
    %slice3A_306 = vector.extract_strided_slice %slice3A_305 {offsets = [0, 0], sizes = [1, 32], strides = [1, 1]} : vector<1x512xf32> to vector<1x32xf32>
    %slice3A_307 = vector.extract_strided_slice %slice3A_305 {offsets = [0, 32], sizes = [1, 32], strides = [1, 1]} : vector<1x512xf32> to vector<1x32xf32>
    %add3A_308 = arith.addf %slice3A_306, %slice3A_307 : vector<1x32xf32>
    %slice3A_309 = vector.extract_strided_slice %slice3A_305 {offsets = [0, 64], sizes = [1, 32], strides = [1, 1]} : vector<1x512xf32> to vector<1x32xf32>
    %add3A_310 = arith.addf %add3A_308, %slice3A_309 : vector<1x32xf32>
    %slice3A_311 = vector.extract_strided_slice %slice3A_305 {offsets = [0, 96], sizes = [1, 32], strides = [1, 1]} : vector<1x512xf32> to vector<1x32xf32>
    %add3A_312 = arith.addf %add3A_310, %slice3A_311 : vector<1x32xf32>
    %slice3A_313 = vector.extract_strided_slice %slice3A_305 {offsets = [0, 128], sizes = [1, 32], strides = [1, 1]} : vector<1x512xf32> to vector<1x32xf32>
    %add3A_314 = arith.addf %add3A_312, %slice3A_313 : vector<1x32xf32>
    %slice3A_315 = vector.extract_strided_slice %slice3A_305 {offsets = [0, 160], sizes = [1, 32], strides = [1, 1]} : vector<1x512xf32> to vector<1x32xf32>
    %add3A_316 = arith.addf %add3A_314, %slice3A_315 : vector<1x32xf32>
    %slice3A_317 = vector.extract_strided_slice %slice3A_305 {offsets = [0, 192], sizes = [1, 32], strides = [1, 1]} : vector<1x512xf32> to vector<1x32xf32>
    %add3A_318 = arith.addf %add3A_316, %slice3A_317 : vector<1x32xf32>
    %slice3A_319 = vector.extract_strided_slice %slice3A_305 {offsets = [0, 224], sizes = [1, 32], strides = [1, 1]} : vector<1x512xf32> to vector<1x32xf32>
    %add3A_320 = arith.addf %add3A_318, %slice3A_319 : vector<1x32xf32>
    %slice3A_321 = vector.extract_strided_slice %slice3A_305 {offsets = [0, 256], sizes = [1, 32], strides = [1, 1]} : vector<1x512xf32> to vector<1x32xf32>
    %add3A_322 = arith.addf %add3A_320, %slice3A_321 : vector<1x32xf32>
    %slice3A_323 = vector.extract_strided_slice %slice3A_305 {offsets = [0, 288], sizes = [1, 32], strides = [1, 1]} : vector<1x512xf32> to vector<1x32xf32>
    %add3A_324 = arith.addf %add3A_322, %slice3A_323 : vector<1x32xf32>
    %slice3A_325 = vector.extract_strided_slice %slice3A_305 {offsets = [0, 320], sizes = [1, 32], strides = [1, 1]} : vector<1x512xf32> to vector<1x32xf32>
    %add3A_326 = arith.addf %add3A_324, %slice3A_325 : vector<1x32xf32>
    %slice3A_327 = vector.extract_strided_slice %slice3A_305 {offsets = [0, 352], sizes = [1, 32], strides = [1, 1]} : vector<1x512xf32> to vector<1x32xf32>
    %add3A_328 = arith.addf %add3A_326, %slice3A_327 : vector<1x32xf32>
    %slice3A_329 = vector.extract_strided_slice %slice3A_305 {offsets = [0, 384], sizes = [1, 32], strides = [1, 1]} : vector<1x512xf32> to vector<1x32xf32>
    %add3A_330 = arith.addf %add3A_328, %slice3A_329 : vector<1x32xf32>
    %slice3A_331 = vector.extract_strided_slice %slice3A_305 {offsets = [0, 416], sizes = [1, 32], strides = [1, 1]} : vector<1x512xf32> to vector<1x32xf32>
    %add3A_332 = arith.addf %add3A_330, %slice3A_331 : vector<1x32xf32>
    %slice3A_333 = vector.extract_strided_slice %slice3A_305 {offsets = [0, 448], sizes = [1, 32], strides = [1, 1]} : vector<1x512xf32> to vector<1x32xf32>
    %add3A_334 = arith.addf %add3A_332, %slice3A_333 : vector<1x32xf32>
    %slice3A_335 = vector.extract_strided_slice %slice3A_305 {offsets = [0, 480], sizes = [1, 32], strides = [1, 1]} : vector<1x512xf32> to vector<1x32xf32>
    %add3A_336 = arith.addf %add3A_334, %slice3A_335 : vector<1x32xf32>
    %mul3A_337 = arith.mulf %add3A_304, %add3A_304 : vector<1x32xf32>
    %div3A_338 = arith.divf %mul3A_337, %mul3A_272 : vector<1x32xf32>
    %sub3A_339 = arith.subf %add3A_336, %div3A_338 : vector<1x32xf32>
    %sqrt3A_340 = math.sqrt %sub3A_339 : vector<1x32xf32>
    %iota3A_341 = tpu.iota {dimensions = array<i32: 1>} : vector<1x32xi32>
    %lt3A_342 = arith.constant 19 : i32
    %lt3A_343 = vector.broadcast %lt3A_342 : i32 to vector<1x32xi32>
    %lt3A_344 = arith.cmpi slt, %iota3A_341, %lt3A_343 : vector<1x32xi32>
    %jit3A_345 = arith.constant 0.000000e+00 : f32
    %broadcast_in_dim3A_346 = vector.broadcast %jit3A_345 : f32 to vector<1x32xf32>
    %select_n3A_347 = arith.select %lt3A_344, %sqrt3A_340, %broadcast_in_dim3A_346 : vector<1x32xi1>, vector<1x32xf32>
    %reduce_sum3A_348 = vector.shape_cast %select_n3A_347 : vector<1x32xf32> to vector<1x1x32xf32>
    %reduce_sum3A_349 = arith.constant dense<0.000000e+00> : vector<1xf32>
    %reduce_sum3A_350 = vector.multi_reduction <add>, %reduce_sum3A_348, %reduce_sum3A_349 [1, 2] : vector<1x1x32xf32> to vector<1xf32>
    %reduce_sum3A_351 = vector.shape_cast %reduce_sum3A_350 : vector<1xf32> to vector<1x1x1xf32>
    %reduce_sum3A_352 = vector.extract %reduce_sum3A_351[0, 0, 0] : f32 from vector<1x1x1xf32>
    %add3A_353 = arith.addf %add3A_231, %reduce_sum3A_352 : f32
    %get3A_354 = arith.constant 24 : index
    %get3A_355 = arith.constant 0 : index
    %get3A_356 = vector.load %arg0[%get3A_354, %get3A_355] : memref<32x1536xf32, #tpu.memory_space<vmem>>, vector<8x1536xf32>
    %reduce_sum3A_357 = arith.constant dense<0.000000e+00> : vector<1536xf32>
    %reduce_sum3A_358 = vector.multi_reduction <add>, %get3A_356, %reduce_sum3A_357 [0] : vector<8x1536xf32> to vector<1536xf32>
    %broadcast_in_dim3A_359 = vector.shape_cast %reduce_sum3A_358 : vector<1536xf32> to vector<1x1536xf32>
    %slice3A_360 = vector.extract_strided_slice %broadcast_in_dim3A_359 {offsets = [0, 0], sizes = [1, 512], strides = [1, 1]} : vector<1x1536xf32> to vector<1x512xf32>
    %slice3A_361 = vector.extract_strided_slice %slice3A_360 {offsets = [0, 0], sizes = [1, 32], strides = [1, 1]} : vector<1x512xf32> to vector<1x32xf32>
    %slice3A_362 = vector.extract_strided_slice %slice3A_360 {offsets = [0, 32], sizes = [1, 32], strides = [1, 1]} : vector<1x512xf32> to vector<1x32xf32>
    %add3A_363 = arith.addf %slice3A_361, %slice3A_362 : vector<1x32xf32>
    %slice3A_364 = vector.extract_strided_slice %slice3A_360 {offsets = [0, 64], sizes = [1, 32], strides = [1, 1]} : vector<1x512xf32> to vector<1x32xf32>
    %add3A_365 = arith.addf %add3A_363, %slice3A_364 : vector<1x32xf32>
    %slice3A_366 = vector.extract_strided_slice %slice3A_360 {offsets = [0, 96], sizes = [1, 32], strides = [1, 1]} : vector<1x512xf32> to vector<1x32xf32>
    %add3A_367 = arith.addf %add3A_365, %slice3A_366 : vector<1x32xf32>
    %slice3A_368 = vector.extract_strided_slice %slice3A_360 {offsets = [0, 128], sizes = [1, 32], strides = [1, 1]} : vector<1x512xf32> to vector<1x32xf32>
    %add3A_369 = arith.addf %add3A_367, %slice3A_368 : vector<1x32xf32>
    %slice3A_370 = vector.extract_strided_slice %slice3A_360 {offsets = [0, 160], sizes = [1, 32], strides = [1, 1]} : vector<1x512xf32> to vector<1x32xf32>
    %add3A_371 = arith.addf %add3A_369, %slice3A_370 : vector<1x32xf32>
    %slice3A_372 = vector.extract_strided_slice %slice3A_360 {offsets = [0, 192], sizes = [1, 32], strides = [1, 1]} : vector<1x512xf32> to vector<1x32xf32>
    %add3A_373 = arith.addf %add3A_371, %slice3A_372 : vector<1x32xf32>
    %slice3A_374 = vector.extract_strided_slice %slice3A_360 {offsets = [0, 224], sizes = [1, 32], strides = [1, 1]} : vector<1x512xf32> to vector<1x32xf32>
    %add3A_375 = arith.addf %add3A_373, %slice3A_374 : vector<1x32xf32>
    %slice3A_376 = vector.extract_strided_slice %slice3A_360 {offsets = [0, 256], sizes = [1, 32], strides = [1, 1]} : vector<1x512xf32> to vector<1x32xf32>
    %add3A_377 = arith.addf %add3A_375, %slice3A_376 : vector<1x32xf32>
    %slice3A_378 = vector.extract_strided_slice %slice3A_360 {offsets = [0, 288], sizes = [1, 32], strides = [1, 1]} : vector<1x512xf32> to vector<1x32xf32>
    %add3A_379 = arith.addf %add3A_377, %slice3A_378 : vector<1x32xf32>
    %slice3A_380 = vector.extract_strided_slice %slice3A_360 {offsets = [0, 320], sizes = [1, 32], strides = [1, 1]} : vector<1x512xf32> to vector<1x32xf32>
    %add3A_381 = arith.addf %add3A_379, %slice3A_380 : vector<1x32xf32>
    %slice3A_382 = vector.extract_strided_slice %slice3A_360 {offsets = [0, 352], sizes = [1, 32], strides = [1, 1]} : vector<1x512xf32> to vector<1x32xf32>
    %add3A_383 = arith.addf %add3A_381, %slice3A_382 : vector<1x32xf32>
    %slice3A_384 = vector.extract_strided_slice %slice3A_360 {offsets = [0, 384], sizes = [1, 32], strides = [1, 1]} : vector<1x512xf32> to vector<1x32xf32>
    %add3A_385 = arith.addf %add3A_383, %slice3A_384 : vector<1x32xf32>
    %slice3A_386 = vector.extract_strided_slice %slice3A_360 {offsets = [0, 416], sizes = [1, 32], strides = [1, 1]} : vector<1x512xf32> to vector<1x32xf32>
    %add3A_387 = arith.addf %add3A_385, %slice3A_386 : vector<1x32xf32>
    %slice3A_388 = vector.extract_strided_slice %slice3A_360 {offsets = [0, 448], sizes = [1, 32], strides = [1, 1]} : vector<1x512xf32> to vector<1x32xf32>
    %add3A_389 = arith.addf %add3A_387, %slice3A_388 : vector<1x32xf32>
    %slice3A_390 = vector.extract_strided_slice %slice3A_360 {offsets = [0, 480], sizes = [1, 32], strides = [1, 1]} : vector<1x512xf32> to vector<1x32xf32>
    %add3A_391 = arith.addf %add3A_389, %slice3A_390 : vector<1x32xf32>
    %mul3A_392 = arith.constant 1.900000e+01 : f32
    %mul3A_393 = vector.broadcast %mul3A_392 : f32 to vector<1x32xf32>
    %mul3A_394 = arith.mulf %add3A_391, %mul3A_393 : vector<1x32xf32>
    %slice3A_395 = vector.extract_strided_slice %broadcast_in_dim3A_359 {offsets = [0, 512], sizes = [1, 512], strides = [1, 1]} : vector<1x1536xf32> to vector<1x512xf32>
    %slice3A_396 = vector.extract_strided_slice %slice3A_395 {offsets = [0, 0], sizes = [1, 32], strides = [1, 1]} : vector<1x512xf32> to vector<1x32xf32>
    %slice3A_397 = vector.extract_strided_slice %slice3A_395 {offsets = [0, 32], sizes = [1, 32], strides = [1, 1]} : vector<1x512xf32> to vector<1x32xf32>
    %add3A_398 = arith.addf %slice3A_396, %slice3A_397 : vector<1x32xf32>
    %slice3A_399 = vector.extract_strided_slice %slice3A_395 {offsets = [0, 64], sizes = [1, 32], strides = [1, 1]} : vector<1x512xf32> to vector<1x32xf32>
    %add3A_400 = arith.addf %add3A_398, %slice3A_399 : vector<1x32xf32>
    %slice3A_401 = vector.extract_strided_slice %slice3A_395 {offsets = [0, 96], sizes = [1, 32], strides = [1, 1]} : vector<1x512xf32> to vector<1x32xf32>
    %add3A_402 = arith.addf %add3A_400, %slice3A_401 : vector<1x32xf32>
    %slice3A_403 = vector.extract_strided_slice %slice3A_395 {offsets = [0, 128], sizes = [1, 32], strides = [1, 1]} : vector<1x512xf32> to vector<1x32xf32>
    %add3A_404 = arith.addf %add3A_402, %slice3A_403 : vector<1x32xf32>
    %slice3A_405 = vector.extract_strided_slice %slice3A_395 {offsets = [0, 160], sizes = [1, 32], strides = [1, 1]} : vector<1x512xf32> to vector<1x32xf32>
    %add3A_406 = arith.addf %add3A_404, %slice3A_405 : vector<1x32xf32>
    %slice3A_407 = vector.extract_strided_slice %slice3A_395 {offsets = [0, 192], sizes = [1, 32], strides = [1, 1]} : vector<1x512xf32> to vector<1x32xf32>
    %add3A_408 = arith.addf %add3A_406, %slice3A_407 : vector<1x32xf32>
    %slice3A_409 = vector.extract_strided_slice %slice3A_395 {offsets = [0, 224], sizes = [1, 32], strides = [1, 1]} : vector<1x512xf32> to vector<1x32xf32>
    %add3A_410 = arith.addf %add3A_408, %slice3A_409 : vector<1x32xf32>
    %slice3A_411 = vector.extract_strided_slice %slice3A_395 {offsets = [0, 256], sizes = [1, 32], strides = [1, 1]} : vector<1x512xf32> to vector<1x32xf32>
    %add3A_412 = arith.addf %add3A_410, %slice3A_411 : vector<1x32xf32>
    %slice3A_413 = vector.extract_strided_slice %slice3A_395 {offsets = [0, 288], sizes = [1, 32], strides = [1, 1]} : vector<1x512xf32> to vector<1x32xf32>
    %add3A_414 = arith.addf %add3A_412, %slice3A_413 : vector<1x32xf32>
    %slice3A_415 = vector.extract_strided_slice %slice3A_395 {offsets = [0, 320], sizes = [1, 32], strides = [1, 1]} : vector<1x512xf32> to vector<1x32xf32>
    %add3A_416 = arith.addf %add3A_414, %slice3A_415 : vector<1x32xf32>
    %slice3A_417 = vector.extract_strided_slice %slice3A_395 {offsets = [0, 352], sizes = [1, 32], strides = [1, 1]} : vector<1x512xf32> to vector<1x32xf32>
    %add3A_418 = arith.addf %add3A_416, %slice3A_417 : vector<1x32xf32>
    %slice3A_419 = vector.extract_strided_slice %slice3A_395 {offsets = [0, 384], sizes = [1, 32], strides = [1, 1]} : vector<1x512xf32> to vector<1x32xf32>
    %add3A_420 = arith.addf %add3A_418, %slice3A_419 : vector<1x32xf32>
    %slice3A_421 = vector.extract_strided_slice %slice3A_395 {offsets = [0, 416], sizes = [1, 32], strides = [1, 1]} : vector<1x512xf32> to vector<1x32xf32>
    %add3A_422 = arith.addf %add3A_420, %slice3A_421 : vector<1x32xf32>
    %slice3A_423 = vector.extract_strided_slice %slice3A_395 {offsets = [0, 448], sizes = [1, 32], strides = [1, 1]} : vector<1x512xf32> to vector<1x32xf32>
    %add3A_424 = arith.addf %add3A_422, %slice3A_423 : vector<1x32xf32>
    %slice3A_425 = vector.extract_strided_slice %slice3A_395 {offsets = [0, 480], sizes = [1, 32], strides = [1, 1]} : vector<1x512xf32> to vector<1x32xf32>
    %add3A_426 = arith.addf %add3A_424, %slice3A_425 : vector<1x32xf32>
    %slice3A_427 = vector.extract_strided_slice %broadcast_in_dim3A_359 {offsets = [0, 1024], sizes = [1, 512], strides = [1, 1]} : vector<1x1536xf32> to vector<1x512xf32>
    %slice3A_428 = vector.extract_strided_slice %slice3A_427 {offsets = [0, 0], sizes = [1, 32], strides = [1, 1]} : vector<1x512xf32> to vector<1x32xf32>
    %slice3A_429 = vector.extract_strided_slice %slice3A_427 {offsets = [0, 32], sizes = [1, 32], strides = [1, 1]} : vector<1x512xf32> to vector<1x32xf32>
    %add3A_430 = arith.addf %slice3A_428, %slice3A_429 : vector<1x32xf32>
    %slice3A_431 = vector.extract_strided_slice %slice3A_427 {offsets = [0, 64], sizes = [1, 32], strides = [1, 1]} : vector<1x512xf32> to vector<1x32xf32>
    %add3A_432 = arith.addf %add3A_430, %slice3A_431 : vector<1x32xf32>
    %slice3A_433 = vector.extract_strided_slice %slice3A_427 {offsets = [0, 96], sizes = [1, 32], strides = [1, 1]} : vector<1x512xf32> to vector<1x32xf32>
    %add3A_434 = arith.addf %add3A_432, %slice3A_433 : vector<1x32xf32>
    %slice3A_435 = vector.extract_strided_slice %slice3A_427 {offsets = [0, 128], sizes = [1, 32], strides = [1, 1]} : vector<1x512xf32> to vector<1x32xf32>
    %add3A_436 = arith.addf %add3A_434, %slice3A_435 : vector<1x32xf32>
    %slice3A_437 = vector.extract_strided_slice %slice3A_427 {offsets = [0, 160], sizes = [1, 32], strides = [1, 1]} : vector<1x512xf32> to vector<1x32xf32>
    %add3A_438 = arith.addf %add3A_436, %slice3A_437 : vector<1x32xf32>
    %slice3A_439 = vector.extract_strided_slice %slice3A_427 {offsets = [0, 192], sizes = [1, 32], strides = [1, 1]} : vector<1x512xf32> to vector<1x32xf32>
    %add3A_440 = arith.addf %add3A_438, %slice3A_439 : vector<1x32xf32>
    %slice3A_441 = vector.extract_strided_slice %slice3A_427 {offsets = [0, 224], sizes = [1, 32], strides = [1, 1]} : vector<1x512xf32> to vector<1x32xf32>
    %add3A_442 = arith.addf %add3A_440, %slice3A_441 : vector<1x32xf32>
    %slice3A_443 = vector.extract_strided_slice %slice3A_427 {offsets = [0, 256], sizes = [1, 32], strides = [1, 1]} : vector<1x512xf32> to vector<1x32xf32>
    %add3A_444 = arith.addf %add3A_442, %slice3A_443 : vector<1x32xf32>
    %slice3A_445 = vector.extract_strided_slice %slice3A_427 {offsets = [0, 288], sizes = [1, 32], strides = [1, 1]} : vector<1x512xf32> to vector<1x32xf32>
    %add3A_446 = arith.addf %add3A_444, %slice3A_445 : vector<1x32xf32>
    %slice3A_447 = vector.extract_strided_slice %slice3A_427 {offsets = [0, 320], sizes = [1, 32], strides = [1, 1]} : vector<1x512xf32> to vector<1x32xf32>
    %add3A_448 = arith.addf %add3A_446, %slice3A_447 : vector<1x32xf32>
    %slice3A_449 = vector.extract_strided_slice %slice3A_427 {offsets = [0, 352], sizes = [1, 32], strides = [1, 1]} : vector<1x512xf32> to vector<1x32xf32>
    %add3A_450 = arith.addf %add3A_448, %slice3A_449 : vector<1x32xf32>
    %slice3A_451 = vector.extract_strided_slice %slice3A_427 {offsets = [0, 384], sizes = [1, 32], strides = [1, 1]} : vector<1x512xf32> to vector<1x32xf32>
    %add3A_452 = arith.addf %add3A_450, %slice3A_451 : vector<1x32xf32>
    %slice3A_453 = vector.extract_strided_slice %slice3A_427 {offsets = [0, 416], sizes = [1, 32], strides = [1, 1]} : vector<1x512xf32> to vector<1x32xf32>
    %add3A_454 = arith.addf %add3A_452, %slice3A_453 : vector<1x32xf32>
    %slice3A_455 = vector.extract_strided_slice %slice3A_427 {offsets = [0, 448], sizes = [1, 32], strides = [1, 1]} : vector<1x512xf32> to vector<1x32xf32>
    %add3A_456 = arith.addf %add3A_454, %slice3A_455 : vector<1x32xf32>
    %slice3A_457 = vector.extract_strided_slice %slice3A_427 {offsets = [0, 480], sizes = [1, 32], strides = [1, 1]} : vector<1x512xf32> to vector<1x32xf32>
    %add3A_458 = arith.addf %add3A_456, %slice3A_457 : vector<1x32xf32>
    %mul3A_459 = arith.mulf %add3A_426, %add3A_426 : vector<1x32xf32>
    %div3A_460 = arith.divf %mul3A_459, %mul3A_394 : vector<1x32xf32>
    %sub3A_461 = arith.subf %add3A_458, %div3A_460 : vector<1x32xf32>
    %sqrt3A_462 = math.sqrt %sub3A_461 : vector<1x32xf32>
    %iota3A_463 = tpu.iota {dimensions = array<i32: 1>} : vector<1x32xi32>
    %lt3A_464 = arith.constant 19 : i32
    %lt3A_465 = vector.broadcast %lt3A_464 : i32 to vector<1x32xi32>
    %lt3A_466 = arith.cmpi slt, %iota3A_463, %lt3A_465 : vector<1x32xi32>
    %jit3A_467 = arith.constant 0.000000e+00 : f32
    %broadcast_in_dim3A_468 = vector.broadcast %jit3A_467 : f32 to vector<1x32xf32>
    %select_n3A_469 = arith.select %lt3A_466, %sqrt3A_462, %broadcast_in_dim3A_468 : vector<1x32xi1>, vector<1x32xf32>
    %reduce_sum3A_470 = vector.shape_cast %select_n3A_469 : vector<1x32xf32> to vector<1x1x32xf32>
    %reduce_sum3A_471 = arith.constant dense<0.000000e+00> : vector<1xf32>
    %reduce_sum3A_472 = vector.multi_reduction <add>, %reduce_sum3A_470, %reduce_sum3A_471 [1, 2] : vector<1x1x32xf32> to vector<1xf32>
    %reduce_sum3A_473 = vector.shape_cast %reduce_sum3A_472 : vector<1xf32> to vector<1x1x1xf32>
    %reduce_sum3A_474 = vector.extract %reduce_sum3A_473[0, 0, 0] : f32 from vector<1x1x1xf32>
    %add3A_475 = arith.addf %add3A_353, %reduce_sum3A_474 : f32
    %div3A_476 = arith.constant 4.000000e+00 : f32
    %div3A_477 = arith.divf %add3A_475, %div3A_476 : f32
    %swap3A = arith.constant 0 : index
    %swap3A_478 = arith.constant 0 : index
    %swap3A_479 = memref.load %arg1[%swap3A, %swap3A_478] : memref<1x1xf32, #tpu.memory_space<smem>>
    memref.store %div3A_477, %arg1[%swap3A, %swap3A_478] : memref<1x1xf32, #tpu.memory_space<smem>>
    return
  }
}

</mosaic_0001>

<sc_bundles>
// kernel: kernel.5.cloned.1.call-start
scs
__scs_entry_jumppad:
0x0: {  	(pc) =	sbr.rel $0x88, $3  }
0x1: {  	(tag) =	ssettag $0x0;
	lr =	simm.s32 $0x1  }
0x2: {  	[smem:$0x3FA0] =	sst lr;
	_ =	strace $0xD0000000  }
0x3: {  	_ = 	snop  }
0x4: {  	_ = 	snop  }
0x5: {  	_ = 	snop  }
0x6: {  	_ = 	snop  }
0x7: {  	_ = 	snop  }
__scs_overlays_trampoline_lowered:
0x8: {  	[smem:$0x3FAF] =	sst s0  }
0x9: {  	[smem:$0x3FB0] =	sst s1  }
0xa: {  	[smem:$0x3FB1] =	sst s2  }
0xb: {  	[smem:$0x3FB2] =	sst s3  }
0xc: {  	[smem:$0x3FB3] =	sst s4  }
0xd: {  	[smem:$0x3FB4] =	sst s5  }
0xe: {  	[smem:$0x3FB5] =	sst s6  }
0xf: {  	[smem:$0x3FB6] =	sst s7  }
0x10: {  	[smem:$0x3FB7] =	sst s8  }
0x11: {  	[smem:$0x3FB8] =	sst s9;
	s0 =	simm.s32 @!p0 $0x0  }
0x12: {  	s1 =	sld [smem:$0x3F9E];
	s0 =	simm.s32 @p0 $0x1  }
0x13: {  	[smem:$0x3FB9] =	sst s0;
	s0 =	simm.s32 @!p1 $0x0  }
0x14: {  	s2 =	sld [smem:$0x3F9D];
	s0 =	simm.s32 @p1 $0x1  }
0x15: {  	[smem:$0x3FBA] =	sst s0;
	s0 =	simm.s32 @!p2 $0x0  }
0x16: {  	s3 =	sld [smem:$0x3FDB];
	s0 =	simm.s32 @p2 $0x1  }
0x17: {  	s4 =	simm.s32 $0x1BF5;
	[smem:$0x3FBC] =	sst s0  }
0x18: {  	s0 =	sld [smem:$0x3F9F];
	_ =	swait.ge [sflag:s4], $0x0  }
0x19: {  	s7 =	sld [smem:$0x3FA0]  }
0x1a: {  	s8 =	sadd.s32 $0xFFFFE003, lr  }
0x1b: {  	s9 =	sadd.s32 $0xFFFFFEF7, lr;
	s5 =	simm.s32 $0xFFFFFFFF;
	p2 =	slt.u32 s8, $0xFFFFF086  }
0x1c: {  	p1 =	slt.u32 s9, $0xF7A;
	s5 =	simm.s32 @!p2 $0x0  }
0x1d: {  	s5 =	simm.s32 @p1 $0x1;
	p0 =	seq.s32 s7, s2  }
0x1e: {  	s7 =	smul.u32 @!p0 $0xF7A, s2;
	p2 =	seq.s32 @!p0 s5, $0x0  }
0x1f: {  	s9 =	smul.u32 $0xF7A, s1;
	s8 =	simm.s32 @!p0 $0x1BF5;
	p2 =	por !p2, p0  }
0x20: {  	[sflag:s8] =	ssyncset.s32 @!p0 $0xFFFFF086;
	s6 =	sadd.s32 @!p0 s3, s7;
	s7 =	simm.s32 @!p0 $0x108  }
0x21: {  	s3 =	sadd.s32 s3, s9;
	s6 =	sadd.s32 @!p0 $0x88, s6;
	s7 =	simm.s32 @p2 $0x1082  }
0x22: {  	[simem:s7], [sflag:s8] =	dma.local @!p0 [hbm:s6], $0xF7A  }
0x23: {  	s9 =	sor.u32 $0xD0000000, s2;
	s6 =	simm.s32 $0x108;
	_ =	swait.ge @!p0 [sflag:s8], $0x0  }
0x24: {  	s3 =	sadd.s32 $0x88, s3;
	s6 =	simm.s32 @!p1 $0x1082;
	[sflag:s4] =	ssyncset.s32 $0xFFFFF086  }
0x25: {  	[simem:s6], [sflag:s4] =	dma.local [hbm:s3], $0xF7A  }
0x26: {  	[smem:$0x3FA0] =	sst s1;
	(tag) =	ssettag s2;
	_ =	strace s9  }
0x27: {  	s1 =	sld [smem:$0x3FB0]  }
0x28: {  	s2 =	sld [smem:$0x3FB1]  }
0x29: {  	s4 =	sld [smem:$0x3FB3]  }
0x2a: {  	p0 =	seq.s32 s5, $0x0;
	s5 =	sld [smem:$0x3FB4]  }
0x2b: {  	s6 =	sld [smem:$0x3FB5]  }
0x2c: {  	s7 =	sld [smem:$0x3FB6]  }
0x2d: {  	s3 =	simm.s32 $0x108;
	s8 =	sld [smem:$0x3FB7]  }
0x2e: {  	s3 =	simm.s32 @!p0 $0x1082;
	s9 =	sld [smem:$0x3FB8]  }
0x2f: {  	lr =	sadd.s32 s0, s3;
	s0 =	sld [smem:$0x3FAF]  }
0x30: {  	s3 =	sld [smem:$0x3FB2]  }
0x31: {  	[smem:$0x3FBB] =	sst s10  }
0x32: {  	s10 =	sld [smem:$0x3FB9];
	_ =	sdelay $0x3  }
0x33: {  	p0 =	seq.s32 s10, $0x1;
	s10 =	sld [smem:$0x3FBB];
	_ =	sdelay $0x3  }
0x34: {  	[smem:$0x3FBB] =	sst s10  }
0x35: {  	s10 =	sld [smem:$0x3FBA];
	_ =	sdelay $0x3  }
0x36: {  	p1 =	seq.s32 s10, $0x1;
	s10 =	sld [smem:$0x3FBB];
	_ =	sdelay $0x3  }
0x37: {  	[smem:$0x3FBB] =	sst s10  }
0x38: {  	s10 =	sld [smem:$0x3FBC]  }
0x39: {  	_ = 	snop;
	(pc) =	sbr.ind lr, $3  }
0x3a: {  	_ = 	snop  }
0x3b: {  	_ = 	snop  }
0x3c: {  	p2 =	seq.s32 s10, $0x1;
	s10 =	sld [smem:$0x3FBB]  }
0x3d: {  	_ =	shalt  }
0x3e: {  	_ =	shalt  }
0x3f: {  	_ =	shalt  }
0x40: {  	_ =	shalt  }
0x41: {  	_ =	shalt  }
0x42: {  	_ =	shalt  }
0x43: {  	_ =	shalt  }
0x44: {  	_ =	shalt  }
0x45: {  	_ =	shalt  }
0x46: {  	_ =	shalt  }
0x47: {  	_ =	shalt  }
0x48: {  	_ =	shalt  }
0x49: {  	_ =	shalt  }
0x4a: {  	_ =	shalt  }
0x4b: {  	_ =	shalt  }
0x4c: {  	_ =	shalt  }
0x4d: {  	_ =	shalt  }
0x4e: {  	_ =	shalt  }
0x4f: {  	_ =	shalt  }
0x50: {  	_ =	shalt  }
0x51: {  	_ =	shalt  }
0x52: {  	_ =	shalt  }
0x53: {  	_ =	shalt  }
0x54: {  	_ =	shalt  }
0x55: {  	_ =	shalt  }
0x56: {  	_ =	shalt  }
0x57: {  	_ =	shalt  }
0x58: {  	_ =	shalt  }
0x59: {  	_ =	shalt  }
0x5a: {  	_ =	shalt  }
0x5b: {  	_ =	shalt  }
0x5c: {  	_ =	shalt  }
0x5d: {  	_ =	shalt  }
0x5e: {  	_ =	shalt  }
0x5f: {  	_ =	shalt  }
0x60: {  	_ =	shalt  }
0x61: {  	_ =	shalt  }
0x62: {  	_ =	shalt  }
0x63: {  	_ =	shalt  }
0x64: {  	_ =	shalt  }
0x65: {  	_ =	shalt  }
0x66: {  	_ =	shalt  }
0x67: {  	_ =	shalt  }
0x68: {  	_ =	shalt  }
0x69: {  	_ =	shalt  }
0x6a: {  	_ =	shalt  }
0x6b: {  	_ =	shalt  }
0x6c: {  	_ =	shalt  }
0x6d: {  	_ =	shalt  }
0x6e: {  	_ =	shalt  }
0x6f: {  	_ =	shalt  }
0x70: {  	_ =	shalt  }
0x71: {  	_ =	shalt  }
0x72: {  	_ =	shalt  }
0x73: {  	_ =	shalt  }
0x74: {  	_ =	shalt  }
0x75: {  	_ =	shalt  }
0x76: {  	_ =	shalt  }
0x77: {  	_ =	shalt  }
0x78: {  	_ =	shalt  }
0x79: {  	_ =	shalt  }
0x7a: {  	_ =	shalt  }
0x7b: {  	_ =	shalt  }
0x7c: {  	_ =	shalt  }
0x7d: {  	_ =	shalt  }
0x7e: {  	_ =	shalt  }
0x7f: {  	_ =	shalt  }
0x80: {  	_ =	shalt  }
0x81: {  	_ =	shalt  }
0x82: {  	_ =	shalt  }
0x83: {  	_ =	shalt  }
0x84: {  	_ =	shalt  }
0x85: {  	_ =	shalt  }
0x86: {  	_ =	shalt  }
0x87: {  	_ =	shalt  }
.Lfunc_end0:
.L_simem_size_0:
called_computation_lowered:
.L_overlay_start_0:
0x88: {  	s2 =	sld [smem:$0x3FD9]  }
0x89: {  	s3 =	sld [smem:$0x3FFE];
	_ =	sdelay $0x1  }
0x8a: {  	s1 =	srdreg.scid  }
0x8b: {  	s0 =	sand.u32 $0x1, s1  }
0x8c: {  	s16 =	sshll.u32 s0, $0xA;
	s2 =	sadd.s32 s3, s2  }
0x8d: {  	s2 =	sadd.s32 s2, s16  }
0x8e: {  	[smem:$0x3FC7] =	sst s2  }
0x8f: {  	_ = 	snop  }
0x90: {  	(tm) =	ssettm $0x1  }
0x91: {  	s17 =	sld [smem:$0x3FFB];
	_ =	sdelay $0x3  }
0x92: {  	_ =	strace s17  }
0x93: {  	s2 =	sld [smem:$0x3FFC];
	_ =	sdelay $0x3  }
0x94: {  	_ =	strace s2  }
0x95: {  	s2 =	sld [smem:$0x3FFD];
	_ =	sdelay $0x3  }
0x96: {  	_ =	strace s2  }
0x97: {  	_ =	strace $0x8FFFFFFF  }
0x98: {  	s18 =	sld [smem:$0x3FDB];
	_ =	sdelay $0x1  }
0x99: {  	s19 =	simm.s32 $_scs_section_size  }
0x9a: {  	s4 =	simm.s32 $_size__tile_overlayer_lowered;
	s5 =	simm.s32 $_tile_overlayer_lowered  }
0x9b: {  	s22 =	simm.s32 $0x1BFF;
	s21 =	sshll.u32 s5, $0x1;
	s2 =	sadd.s32 s19, s18  }
0x9c: {  	s6 =	simm.s32 $0x0;
	s20 =	sshll.u32 s4, $0x1;
	s4 =	sadd.s32 s21, s2  }
0x9d: {  	[timem:s6], [sflag:s22] =	dma.local [hbm:s4], s20  }
0x9e: {  	_ =	swait.ge [sflag:s22], s20  }
0x9f: {  	s3 =	ssub.s32 $0x0, s20;
	[sflag:s22] =	ssyncset.done $0x0  }
0xa0: {  	[sflag:s22] =	ssyncadd.s32 s3;
	_ =	sdelay $0x1  }
0xa1: {  	s23 =	simm.s32 $0x1B8B  }
0xa2: {  	_ =	swait.ge [sflag:s23], $0x1  }
0xa3: {  	[sflag:s23] =	ssyncset.done $0x0  }
0xa4: {  	s25 =	simm.s32 $0x1B8E;
	s24 =	sld [smem:$0x3FFE];
	[sflag:s23] =	ssyncadd.s32 $0xFFFFFFFF  }
0xa5: {  	s26 =	simm.s32 $execute0_lowered;
	[smem:$0x3FD2] =	sst s25  }
0xa6: {  	s4 =	sshll.u32 s26, $0x1;
	_ =	strace $0x80000046;
	[dreg:$0x1] =	wrdreg $0xFFFFFFFF  }
0xa7: {  	s28 =	simm.s32 $_size_execute0_lowered;
	s2 =	sadd.s32 s2, s4;
	[dreg:$0x0] =	wrdreg $0x0  }
0xa8: {  	s4 =	sshll.u32 s28, $0x1;
	[dreg:$0x2] =	wrdreg s2  }
0xa9: {  	[dreg:$0x3] =	wrdreg s4  }
0xaa: {  	[dreg:$0x4] =	wrdreg $0xC0  }
0xab: {  	_ =	task [dreg:s6], $0x5FFFF  }
0xac: {  	[dreg:$0x1] =	wrdreg $0xFFFFFFFF  }
0xad: {  	[dreg:$0x0] =	wrdreg $0x60  }
0xae: {  	[dreg:$0x2] =	wrdreg s24  }
0xaf: {  	[dreg:$0x3] =	wrdreg $0x9  }
0xb0: {  	_ =	task.clear_ibuf [dreg:s6], $0x4FFFF;
	_ =	strace $0x90000046  }
0xb1: {  	s29 =	simm.s32 $0x9;
	_ =	strace $0x80000048  }
0xb2: {  	_ =	swait.ge [sflag:s29], $0x1  }
0xb3: {  	[sflag:s29] =	ssyncadd.s32 $0xFFFFFFFF  }
0xb4: {  	_ =	strace $0x90000048  }
0xb5: {  	_ =	sfence  }
0xb6: {  	s30 =	sld [smem:$0x0];
	_ =	sdelay $0x2  }
0xb7: {  	s31 =	sshll.u32 s1, $0xD;
	s1 =	sshrl.u32 s1, $0x2  }
0xb8: {  	s3 =	sand.u32 $0x4000, s31;
	s1 =	sadd.s32 s1, s30  }
0xb9: {  	s0 =	sor.u32 s3, s0;
	s1 =	sshll.u32 s1, $0x11  }
0xba: {  	s0 =	sor.u32 s1, s0  }
0xbb: {  	s0 =	sadd.s32 $0x8F2B, s0  }
0xbc: {  	[sflag:s0] =	ssyncadd.remote.s32 $0x1  }
0xbd: {  	_ =	sfence.sel $0xFFFF  }
0xbe: {  	[dreg:$0x0] =	wrdreg $0xFFFFFFFF;
	(pc) =	sbr.abs _section_cstart, $3  }
0xbf: {  	[dreg:$0x1] =	wrdreg $0xFFFFFFFF  }
0xc0: {  	_ =	task.clear_ibuf [dreg:s6], $0x2FFFF;
	_ =	strace $0x9FFFFFFF  }
0xc1: {  	(tm) =	ssettm $0x7FFFFFFF  }
tec
execute0_lowered:
.L_overlay_start_1:
0x0: {  	(tag) =	ssettag $0x1  }
0x1: {  	s3 =	rddreg [dreg:$0x0]  }
0x2: {  	s0 =	rddreg [dreg:$0x1];
	s1 =	simm.s32 $0x0  }
0x3: {  	s4 =	srdreg.scid;
	s2 =	stileid.u32;
	s13 =	simm.s32 $0xC000  }
0x4: {  	s14 =	simm.s32 $0x1;
	s15 =	simm.s32 $0x10000;
	s16 =	simm.s32 $0x10200  }
0x5: {  	s17 =	simm.s32 $0x10400;
	s18 =	simm.s32 $0x2;
	s19 =	simm.s32 $0x80  }
0x6: {  	s20 =	simm.s32 $0x400;
	s21 =	simm.s32 $0x3;
	s22 =	simm.s32 $0x0  }
0x7: {  	[smem:$0x7FF] =	sst s1;
	s5 =	sadd.s32 $0xC00, s3;
	s4 =	sand.u32 $0x1, s4  }
0x8: {  	s6 =	sadd.s32 $0x20C00, s3;
	s8 =	sshll.u32 s2, $0x1;
	s9 =	sadd.s32 $0x40C00, s3  }
0x9: {  	s28 =	sshrl.u32 s2, $0x2;
	_ =	strace $0x80000047;
	s7 =	ssub.s32 $0x2, s4  }
0xa: {  	s4 =	sor.u32 s4, s8;
	s8 =	smul.u32 $0x3000, s28;
	s25 =	sshrl.u32 s7, $0x1  }
0xb: {  	s26 =	sshll.u32 s4, $0xC;
	s11 =	sshll.u32 s4, $0x7;
	s10 =	ssub.s32 s7, s25  }
0xc: {  	s3 =	sadd.s32 s5, s26;
	s7 =	sor.u32 $0x800, s26;
	s11 =	sand.u32 $0x380, s11  }
0xd: {  	s4 =	sadd.s32 s6, s26;
	s5 =	sadd.s32 s5, s7;
	s29 =	sor.u32 s8, s11  }
0xe: {  	s6 =	sadd.s32 s6, s7;
	s10 =	smax.u32 s10, $0x1;
	s8 =	sshrl.u32 s29, $0x3  }
0xf: {  	s11 =	sadd.s32 $0x1000, s29;
	s12 =	sadd.s32 $0x2000, s29;
	s7 =	sadd.s32 s9, s8  }
0x10: {  	s30 =	sshrl.u32 s11, $0x3;
	s31 =	sshrl.u32 s12, $0x3;
	s11 =	simm.s32 $0x8000  }
0x11: {  	v0 =	vimm.f32 $0.0e+00;
	v1 =	vimm.f32 $1.000000000e+00;
	s12 =	simm.s32 $0x4000;
	s8 =	sadd.s32 s9, s30;
	s9 =	sadd.s32 s9, s31  }
.LBB2_1:
0x12: {  	[tilespmem:s1], [sflag:$0x1] =	stream.linear.gather [hbm4b:s3+s1], $0x4000, $0x38;
	[tilespmem:$0x10600] =	vst v63  }
0x13: {  	_ = 	snop  }
0x14: {  	[tilespmem:s11], [sflag:$0x1] =	stream.linear.gather [hbm4b:s4+s1], $0x4000, $0x38;
	[tilespmem:$0x10600] =	vst v63  }
0x15: {  	_ = 	snop  }
0x16: {  	[tilespmem:s12], [sflag:$0x2] =	stream.linear.gather [hbm4b:s5+s1], $0x4000, $0x38;
	[tilespmem:$0x10600] =	vst v63  }
0x17: {  	_ = 	snop  }
0x18: {  	[tilespmem:s13], [sflag:$0x2] =	stream.linear.gather [hbm4b:s6+s1], $0x4000, $0x38;
	[tilespmem:$0x10600] =	vst v63  }
0x19: {  	[tilespmem:$0x10000] =	vst v0  }
0x1a: {  	[tilespmem:$0x10200] =	vst v0  }
0x1b: {  	[tilespmem:$0x10400] =	vst v0  }
0x1c: {  	[tilespmem:$0x10010] =	vst v0  }
0x1d: {  	[tilespmem:$0x10210] =	vst v0  }
0x1e: {  	[tilespmem:$0x10410] =	vst v0  }
0x1f: {  	[tilespmem:$0x10020] =	vst v0  }
0x20: {  	[tilespmem:$0x10220] =	vst v0  }
0x21: {  	[tilespmem:$0x10420] =	vst v0  }
0x22: {  	[tilespmem:$0x10030] =	vst v0  }
0x23: {  	[tilespmem:$0x10230] =	vst v0  }
0x24: {  	[tilespmem:$0x10430] =	vst v0  }
0x25: {  	[tilespmem:$0x10040] =	vst v0  }
0x26: {  	[tilespmem:$0x10240] =	vst v0  }
0x27: {  	[tilespmem:$0x10440] =	vst v0  }
0x28: {  	[tilespmem:$0x10050] =	vst v0  }
0x29: {  	[tilespmem:$0x10250] =	vst v0  }
0x2a: {  	[tilespmem:$0x10450] =	vst v0  }
0x2b: {  	[tilespmem:$0x10060] =	vst v0  }
0x2c: {  	[tilespmem:$0x10260] =	vst v0  }
0x2d: {  	[tilespmem:$0x10460] =	vst v0  }
0x2e: {  	[tilespmem:$0x10070] =	vst v0  }
0x2f: {  	[tilespmem:$0x10270] =	vst v0  }
0x30: {  	[tilespmem:$0x10470] =	vst v0  }
0x31: {  	[tilespmem:$0x10080] =	vst v0  }
0x32: {  	[tilespmem:$0x10280] =	vst v0  }
0x33: {  	[tilespmem:$0x10480] =	vst v0  }
0x34: {  	[tilespmem:$0x10090] =	vst v0  }
0x35: {  	[tilespmem:$0x10290] =	vst v0  }
0x36: {  	[tilespmem:$0x10490] =	vst v0  }
0x37: {  	[tilespmem:$0x100A0] =	vst v0  }
0x38: {  	[tilespmem:$0x102A0] =	vst v0  }
0x39: {  	[tilespmem:$0x104A0] =	vst v0  }
0x3a: {  	[tilespmem:$0x100B0] =	vst v0  }
0x3b: {  	[tilespmem:$0x102B0] =	vst v0  }
0x3c: {  	[tilespmem:$0x104B0] =	vst v0  }
0x3d: {  	[tilespmem:$0x100C0] =	vst v0  }
0x3e: {  	[tilespmem:$0x102C0] =	vst v0  }
0x3f: {  	[tilespmem:$0x104C0] =	vst v0  }
0x40: {  	[tilespmem:$0x100D0] =	vst v0  }
0x41: {  	[tilespmem:$0x102D0] =	vst v0  }
0x42: {  	[tilespmem:$0x104D0] =	vst v0  }
0x43: {  	[tilespmem:$0x100E0] =	vst v0  }
0x44: {  	[tilespmem:$0x102E0] =	vst v0  }
0x45: {  	[tilespmem:$0x104E0] =	vst v0  }
0x46: {  	[tilespmem:$0x100F0] =	vst v0  }
0x47: {  	[tilespmem:$0x102F0] =	vst v0  }
0x48: {  	[tilespmem:$0x104F0] =	vst v0  }
0x49: {  	[tilespmem:$0x10100] =	vst v0  }
0x4a: {  	[tilespmem:$0x10300] =	vst v0  }
0x4b: {  	[tilespmem:$0x10500] =	vst v0  }
0x4c: {  	[tilespmem:$0x10110] =	vst v0  }
0x4d: {  	[tilespmem:$0x10310] =	vst v0  }
0x4e: {  	[tilespmem:$0x10510] =	vst v0  }
0x4f: {  	[tilespmem:$0x10120] =	vst v0  }
0x50: {  	[tilespmem:$0x10320] =	vst v0  }
0x51: {  	[tilespmem:$0x10520] =	vst v0  }
0x52: {  	[tilespmem:$0x10130] =	vst v0  }
0x53: {  	[tilespmem:$0x10330] =	vst v0  }
0x54: {  	[tilespmem:$0x10530] =	vst v0  }
0x55: {  	[tilespmem:$0x10140] =	vst v0  }
0x56: {  	[tilespmem:$0x10340] =	vst v0  }
0x57: {  	[tilespmem:$0x10540] =	vst v0  }
0x58: {  	[tilespmem:$0x10150] =	vst v0  }
0x59: {  	[tilespmem:$0x10350] =	vst v0  }
0x5a: {  	[tilespmem:$0x10550] =	vst v0  }
0x5b: {  	[tilespmem:$0x10160] =	vst v0  }
0x5c: {  	[tilespmem:$0x10360] =	vst v0  }
0x5d: {  	[tilespmem:$0x10560] =	vst v0  }
0x5e: {  	[tilespmem:$0x10170] =	vst v0  }
0x5f: {  	[tilespmem:$0x10370] =	vst v0  }
0x60: {  	[tilespmem:$0x10570] =	vst v0  }
0x61: {  	[tilespmem:$0x10180] =	vst v0  }
0x62: {  	[tilespmem:$0x10380] =	vst v0  }
0x63: {  	[tilespmem:$0x10580] =	vst v0  }
0x64: {  	[tilespmem:$0x10190] =	vst v0  }
0x65: {  	[tilespmem:$0x10390] =	vst v0  }
0x66: {  	[tilespmem:$0x10590] =	vst v0  }
0x67: {  	[tilespmem:$0x101A0] =	vst v0  }
0x68: {  	[tilespmem:$0x103A0] =	vst v0  }
0x69: {  	[tilespmem:$0x105A0] =	vst v0  }
0x6a: {  	[tilespmem:$0x101B0] =	vst v0  }
0x6b: {  	[tilespmem:$0x103B0] =	vst v0  }
0x6c: {  	[tilespmem:$0x105B0] =	vst v0  }
0x6d: {  	[tilespmem:$0x101C0] =	vst v0  }
0x6e: {  	[tilespmem:$0x103C0] =	vst v0  }
0x6f: {  	[tilespmem:$0x105C0] =	vst v0  }
0x70: {  	[tilespmem:$0x101D0] =	vst v0  }
0x71: {  	[tilespmem:$0x103D0] =	vst v0  }
0x72: {  	[tilespmem:$0x105D0] =	vst v0  }
0x73: {  	[tilespmem:$0x101E0] =	vst v0  }
0x74: {  	[tilespmem:$0x103E0] =	vst v0  }
0x75: {  	[tilespmem:$0x105E0] =	vst v0  }
0x76: {  	[tilespmem:$0x101F0] =	vst v0  }
0x77: {  	[tilespmem:$0x103F0] =	vst v0  }
0x78: {  	[tilespmem:$0x105F0] =	vst v0  }
0x79: {  	_ =	swait.ge [sflag:s14], $0x4000  }
0x7a: {  	[sflag:s14] =	ssyncset.done $0x0  }
0x7b: {  	s23 =	simm.s32 $0x0;
	[sflag:s14] =	ssyncadd.s32 $0xFFFFC000  }
0x7c: {  	s25 =	sand.u32 $0xC00, s1;
	s24 =	sand.u32 $0x3000, s23;
	_ =	swait.ge [sflag:s14], $0x4000  }
0x7d: {  	s31 =	sand.u32 $0x380, s1;
	s24 =	sor.u32 s24, s25;
	[sflag:s14] =	ssyncset.done $0x0  }
0x7e: {  	s24 =	sor.u32 s31, s24;
	[sflag:s14] =	ssyncadd.s32 $0xFFFFC000  }
0x7f: {  	v2 =	vld [tilespmem:s24+$0x8070]  }
0x80: {  	v3 =	vld [tilespmem:s24+$0x8000]  }
0x81: {  	v4 =	vld [tilespmem:s24+$0x8010]  }
0x82: {  	v5 =	vld [tilespmem:s24+$0x8020]  }
0x83: {  	v6 =	vld [tilespmem:s24+$0x8030]  }
0x84: {  	v7 =	vld [tilespmem:s24+$0x8040]  }
0x85: {  	v9 =	vld [tilespmem:s24+$0x70]  }
0x86: {  	v10 =	vld [tilespmem:s24+$0x8050]  }
0x87: {  	v11 =	vld [tilespmem:s24+$0x8060]  }
0x88: {  	v12 =	vld [tilespmem:s24+$0x0];
	v8 =	vand.u32 $0x1FF, v2  }
0x89: {  	v13 =	vld [tilespmem:s24+$0x20];
	v63 =	vand.u32 $0x1FF, v3  }
0x8a: {  	v14 =	vld [tilespmem:s24+$0x30];
	v18 =	vand.u32 $0x1FF, v5  }
0x8b: {  	v15 =	vld [tilespmem:s24+$0x40]  }
0x8c: {  	v17 =	vld [tilespmem:s24+$0x50]  }
0x8d: {  	[tilespmem:v8+s15+$0x0] =	vst.idx.add.f32.msk $0xffff, v1  }
0x8e: {  	[tilespmem:v63+s15+$0x0] =	vst.idx.add.f32.msk $0xffff, v1  }
0x8f: {  	[tilespmem:v18+s15+$0x0] =	vst.idx.add.f32.msk $0xffff, v1  }
0x90: {  	[tilespmem:v8+s16+$0x0] =	vst.idx.add.f32.msk $0xffff, v9  }
0x91: {  	v2 =	vand.u32 $0xFFFFFE00, v2;
	[tilespmem:v63+s16+$0x0] =	vst.idx.add.f32.msk $0xffff, v12  }
0x92: {  	v16 =	vand.u32 $0x1FF, v4;
	[tilespmem:v8+s17+$0x0] =	vst.idx.add.f32.msk $0xffff, v2  }
0x93: {  	v3 =	vand.u32 $0xFFFFFE00, v3;
	v8 =	vld [tilespmem:s24+$0x10]  }
0x94: {  	[tilespmem:v63+s17+$0x0] =	vst.idx.add.f32.msk $0xffff, v3;
	v3 =	vand.u32 $0xFFFFFE00, v4;
	v4 =	vand.u32 $0x1FF, v6  }
0x95: {  	[tilespmem:v18+s16+$0x0] =	vst.idx.add.f32.msk $0xffff, v13  }
0x96: {  	v2 =	vld [tilespmem:s24+$0x60]  }
0x97: {  	[tilespmem:v16+s15+$0x0] =	vst.idx.add.f32.msk $0xffff, v1  }
0x98: {  	[tilespmem:v16+s16+$0x0] =	vst.idx.add.f32.msk $0xffff, v8  }
0x99: {  	v8 =	vand.u32 $0x1FF, v7;
	[tilespmem:v4+s15+$0x0] =	vst.idx.add.f32.msk $0xffff, v1  }
0x9a: {  	[tilespmem:v16+s17+$0x0] =	vst.idx.add.f32.msk $0xffff, v3  }
0x9b: {  	v3 =	vand.u32 $0xFFFFFE00, v5;
	v5 =	vand.u32 $0x1FF, v10;
	[tilespmem:v4+s16+$0x0] =	vst.idx.add.f32.msk $0xffff, v14  }
0x9c: {  	[tilespmem:v18+s17+$0x0] =	vst.idx.add.f32.msk $0xffff, v3;
	v3 =	vand.u32 $0xFFFFFE00, v6  }
0x9d: {  	[tilespmem:v4+s17+$0x0] =	vst.idx.add.f32.msk $0xffff, v3  }
0x9e: {  	[tilespmem:v8+s15+$0x0] =	vst.idx.add.f32.msk $0xffff, v1  }
0x9f: {  	v4 =	vand.u32 $0x1FF, v11;
	[tilespmem:v8+s16+$0x0] =	vst.idx.add.f32.msk $0xffff, v15  }
0xa0: {  	v3 =	vand.u32 $0xFFFFFE00, v7;
	[tilespmem:v5+s15+$0x0] =	vst.idx.add.f32.msk $0xffff, v1  }
0xa1: {  	[tilespmem:v8+s17+$0x0] =	vst.idx.add.f32.msk $0xffff, v3  }
0xa2: {  	s25 =	simm.s32 $0x0;
	s24 =	simm.s32 $0x0;
	v6 =	vand.u32 $0xFFFFFE00, v10;
	v3 =	vand.u32 $0xFFFFFE00, v11;
	[tilespmem:v5+s16+$0x0] =	vst.idx.add.f32.msk $0xffff, v17  }
.LBB2_2:
0xa3: {  	s23 =	sadd.s32 $0x80, s23;
	[tilespmem:v5+s17+$0x0] =	vst.idx.add.f32.msk $0xffff, v6;
	s24 =	sadd.s32 $0x400, s24  }
0xa4: {  	s25 =	sadd.s32 $0x20, s25;
	s26 =	sand.u32 $0x3000, s23;
	s28 =	sand.u32 $0xC00, s24;
	[tilespmem:v4+s15+$0x0] =	vst.idx.add.f32.msk $0xffff, v1  }
0xa5: {  	p0 =	slt.u32 s23, $0x3F80;
	s26 =	sor.u32 s26, s28;
	s28 =	sand.u32 $0x380, s25;
	[tilespmem:v4+s16+$0x0] =	vst.idx.add.f32.msk $0xffff, v2  }
0xa6: {  	s26 =	sor.u32 s28, s26;
	[tilespmem:v4+s17+$0x0] =	vst.idx.add.f32.msk $0xffff, v3  }
0xa7: {  	v2 =	vld [tilespmem:s26+$0x8070]  }
0xa8: {  	v3 =	vld [tilespmem:s26+$0x8000]  }
0xa9: {  	v4 =	vld [tilespmem:s26+$0x8010]  }
0xaa: {  	v5 =	vld [tilespmem:s26+$0x8020]  }
0xab: {  	v6 =	vld [tilespmem:s26+$0x8030]  }
0xac: {  	v7 =	vld [tilespmem:s26+$0x8040];
	v8 =	vand.u32 $0x1FF, v2  }
0xad: {  	v9 =	vand.u32 $0xFFFFFE00, v3;
	v10 =	vand.u32 $0x1FF, v3;
	v3 =	vld [tilespmem:s26+$0x70]  }
0xae: {  	v11 =	vand.u32 $0xFFFFFE00, v4;
	v12 =	vand.u32 $0x1FF, v4;
	v4 =	vld [tilespmem:s26+$0x8050]  }
0xaf: {  	v13 =	vand.u32 $0xFFFFFE00, v5;
	v14 =	vand.u32 $0x1FF, v5;
	v15 =	vld [tilespmem:s26+$0x8060]  }
0xb0: {  	v16 =	vld [tilespmem:s26+$0x0];
	v17 =	vand.u32 $0xFFFFFE00, v6;
	v18 =	vand.u32 $0x1FF, v6  }
0xb1: {  	v19 =	vand.u32 $0xFFFFFE00, v7;
	v7 =	vand.u32 $0x1FF, v7;
	[tilespmem:v8+s15+$0x0] =	vst.idx.add.f32.msk $0xffff, v1  }
0xb2: {  	v2 =	vand.u32 $0xFFFFFE00, v2;
	[tilespmem:v8+s16+$0x0] =	vst.idx.add.f32.msk $0xffff, v3  }
0xb3: {  	v6 =	vand.u32 $0xFFFFFE00, v4;
	v5 =	vand.u32 $0x1FF, v4;
	[tilespmem:v8+s17+$0x0] =	vst.idx.add.f32.msk $0xffff, v2  }
0xb4: {  	v8 =	vld [tilespmem:s26+$0x10];
	v3 =	vand.u32 $0xFFFFFE00, v15;
	v4 =	vand.u32 $0x1FF, v15  }
0xb5: {  	v15 =	vld [tilespmem:s26+$0x20]  }
0xb6: {  	v20 =	vld [tilespmem:s26+$0x30]  }
0xb7: {  	v21 =	vld [tilespmem:s26+$0x40]  }
0xb8: {  	v22 =	vld [tilespmem:s26+$0x50]  }
0xb9: {  	v2 =	vld [tilespmem:s26+$0x60]  }
0xba: {  	[tilespmem:v10+s15+$0x0] =	vst.idx.add.f32.msk $0xffff, v1  }
0xbb: {  	[tilespmem:v10+s16+$0x0] =	vst.idx.add.f32.msk $0xffff, v16  }
0xbc: {  	[tilespmem:v10+s17+$0x0] =	vst.idx.add.f32.msk $0xffff, v9  }
0xbd: {  	[tilespmem:v12+s15+$0x0] =	vst.idx.add.f32.msk $0xffff, v1  }
0xbe: {  	[tilespmem:v12+s16+$0x0] =	vst.idx.add.f32.msk $0xffff, v8  }
0xbf: {  	[tilespmem:v12+s17+$0x0] =	vst.idx.add.f32.msk $0xffff, v11  }
0xc0: {  	[tilespmem:v14+s15+$0x0] =	vst.idx.add.f32.msk $0xffff, v1  }
0xc1: {  	[tilespmem:v14+s16+$0x0] =	vst.idx.add.f32.msk $0xffff, v15  }
0xc2: {  	[tilespmem:v14+s17+$0x0] =	vst.idx.add.f32.msk $0xffff, v13  }
0xc3: {  	[tilespmem:v18+s15+$0x0] =	vst.idx.add.f32.msk $0xffff, v1  }
0xc4: {  	[tilespmem:v18+s16+$0x0] =	vst.idx.add.f32.msk $0xffff, v20  }
0xc5: {  	[tilespmem:v18+s17+$0x0] =	vst.idx.add.f32.msk $0xffff, v17  }
.Ltmp0:
0xc6: {  	[tilespmem:v7+s15+$0x0] =	vst.idx.add.f32.msk $0xffff, v1;
	(pc) =	sbr.rel @p0 .LBB2_2-.Ltmp0, $4  }
0xc7: {  	[tilespmem:v7+s16+$0x0] =	vst.idx.add.f32.msk $0xffff, v21  }
0xc8: {  	[tilespmem:v7+s17+$0x0] =	vst.idx.add.f32.msk $0xffff, v19  }
0xc9: {  	[tilespmem:v5+s15+$0x0] =	vst.idx.add.f32.msk $0xffff, v1  }
0xca: {  	[tilespmem:v5+s16+$0x0] =	vst.idx.add.f32.msk $0xffff, v22  }
0xcb: {  	_ =	sdelay $0x3  }
0xcc: {  	[tilespmem:v5+s17+$0x0] =	vst.idx.add.f32.msk $0xffff, v6  }
0xcd: {  	[tilespmem:v4+s15+$0x0] =	vst.idx.add.f32.msk $0xffff, v1  }
0xce: {  	[tilespmem:v4+s16+$0x0] =	vst.idx.add.f32.msk $0xffff, v2  }
0xcf: {  	[tilespmem:v4+s17+$0x0] =	vst.idx.add.f32.msk $0xffff, v3  }
0xd0: {  	_ =	swait.ge [sflag:s18], $0x4000  }
0xd1: {  	s23 =	simm.s32 $0x20000;
	[sflag:s18] =	ssyncset.done $0x0  }
0xd2: {  	s24 =	simm.s32 $0x4000;
	s25 =	simm.s32 $0x1000;
	[sflag:s18] =	ssyncadd.s32 $0xFFFFC000  }
0xd3: {  	s26 =	sand.u32 $0x7000, s24;
	s28 =	sand.u32 $0xC00, s23;
	_ =	swait.ge [sflag:s18], $0x4000  }
0xd4: {  	s31 =	sand.u32 $0x380, s25;
	s26 =	sor.u32 s26, s28;
	[sflag:s18] =	ssyncset.done $0x0  }
0xd5: {  	s26 =	sor.u32 s31, s26;
	[sflag:s18] =	ssyncadd.s32 $0xFFFFC000  }
0xd6: {  	v2 =	vld [tilespmem:s26+$0x8070]  }
0xd7: {  	v3 =	vld [tilespmem:s26+$0x8000]  }
0xd8: {  	v4 =	vld [tilespmem:s26+$0x8010]  }
0xd9: {  	v5 =	vld [tilespmem:s26+$0x8020]  }
0xda: {  	v6 =	vld [tilespmem:s26+$0x8030]  }
0xdb: {  	v7 =	vld [tilespmem:s26+$0x8040]  }
0xdc: {  	v9 =	vld [tilespmem:s26+$0x70]  }
0xdd: {  	v10 =	vld [tilespmem:s26+$0x8050]  }
0xde: {  	v11 =	vld [tilespmem:s26+$0x8060]  }
0xdf: {  	v12 =	vld [tilespmem:s26+$0x0];
	v8 =	vand.u32 $0x1FF, v2  }
0xe0: {  	v13 =	vld [tilespmem:s26+$0x20];
	v63 =	vand.u32 $0x1FF, v3  }
0xe1: {  	v14 =	vld [tilespmem:s26+$0x30];
	v18 =	vand.u32 $0x1FF, v5  }
0xe2: {  	v15 =	vld [tilespmem:s26+$0x40]  }
0xe3: {  	v17 =	vld [tilespmem:s26+$0x50]  }
0xe4: {  	[tilespmem:v8+s15+$0x0] =	vst.idx.add.f32.msk $0xffff, v1  }
0xe5: {  	[tilespmem:v63+s15+$0x0] =	vst.idx.add.f32.msk $0xffff, v1  }
0xe6: {  	[tilespmem:v18+s15+$0x0] =	vst.idx.add.f32.msk $0xffff, v1  }
0xe7: {  	[tilespmem:v8+s16+$0x0] =	vst.idx.add.f32.msk $0xffff, v9  }
0xe8: {  	v2 =	vand.u32 $0xFFFFFE00, v2;
	[tilespmem:v63+s16+$0x0] =	vst.idx.add.f32.msk $0xffff, v12  }
0xe9: {  	v16 =	vand.u32 $0x1FF, v4;
	[tilespmem:v8+s17+$0x0] =	vst.idx.add.f32.msk $0xffff, v2  }
0xea: {  	v3 =	vand.u32 $0xFFFFFE00, v3;
	v8 =	vld [tilespmem:s26+$0x10]  }
0xeb: {  	[tilespmem:v63+s17+$0x0] =	vst.idx.add.f32.msk $0xffff, v3;
	v3 =	vand.u32 $0xFFFFFE00, v4;
	v4 =	vand.u32 $0x1FF, v6  }
0xec: {  	[tilespmem:v18+s16+$0x0] =	vst.idx.add.f32.msk $0xffff, v13  }
0xed: {  	v2 =	vld [tilespmem:s26+$0x60]  }
0xee: {  	[tilespmem:v16+s15+$0x0] =	vst.idx.add.f32.msk $0xffff, v1  }
0xef: {  	[tilespmem:v16+s16+$0x0] =	vst.idx.add.f32.msk $0xffff, v8  }
0xf0: {  	v8 =	vand.u32 $0x1FF, v7;
	[tilespmem:v4+s15+$0x0] =	vst.idx.add.f32.msk $0xffff, v1  }
0xf1: {  	[tilespmem:v16+s17+$0x0] =	vst.idx.add.f32.msk $0xffff, v3  }
0xf2: {  	v3 =	vand.u32 $0xFFFFFE00, v5;
	v5 =	vand.u32 $0x1FF, v10;
	[tilespmem:v4+s16+$0x0] =	vst.idx.add.f32.msk $0xffff, v14  }
0xf3: {  	[tilespmem:v18+s17+$0x0] =	vst.idx.add.f32.msk $0xffff, v3;
	v3 =	vand.u32 $0xFFFFFE00, v6  }
0xf4: {  	[tilespmem:v4+s17+$0x0] =	vst.idx.add.f32.msk $0xffff, v3  }
0xf5: {  	[tilespmem:v8+s15+$0x0] =	vst.idx.add.f32.msk $0xffff, v1  }
0xf6: {  	v4 =	vand.u32 $0x1FF, v11;
	[tilespmem:v8+s16+$0x0] =	vst.idx.add.f32.msk $0xffff, v15  }
0xf7: {  	v3 =	vand.u32 $0xFFFFFE00, v7;
	[tilespmem:v5+s15+$0x0] =	vst.idx.add.f32.msk $0xffff, v1  }
0xf8: {  	[tilespmem:v8+s17+$0x0] =	vst.idx.add.f32.msk $0xffff, v3  }
0xf9: {  	v6 =	vand.u32 $0xFFFFFE00, v10;
	v3 =	vand.u32 $0xFFFFFE00, v11;
	[tilespmem:v5+s16+$0x0] =	vst.idx.add.f32.msk $0xffff, v17  }
.LBB2_4:
0xfa: {  	s24 =	sadd.s32 $0x80, s24;
	[tilespmem:v5+s17+$0x0] =	vst.idx.add.f32.msk $0xffff, v6;
	s23 =	sadd.s32 $0x400, s23  }
0xfb: {  	s25 =	sadd.s32 $0x20, s25;
	s26 =	sand.u32 $0x7000, s24;
	s28 =	sand.u32 $0xC00, s23;
	[tilespmem:v4+s15+$0x0] =	vst.idx.add.f32.msk $0xffff, v1  }
0xfc: {  	p0 =	slt.u32 s24, $0x7F80;
	s26 =	sor.u32 s26, s28;
	s28 =	sand.u32 $0x380, s25;
	[tilespmem:v4+s16+$0x0] =	vst.idx.add.f32.msk $0xffff, v2  }
0xfd: {  	s26 =	sor.u32 s28, s26;
	[tilespmem:v4+s17+$0x0] =	vst.idx.add.f32.msk $0xffff, v3  }
0xfe: {  	v2 =	vld [tilespmem:s26+$0x8070]  }
0xff: {  	v3 =	vld [tilespmem:s26+$0x8000]  }
0x100: {  	v4 =	vld [tilespmem:s26+$0x8010]  }
0x101: {  	v5 =	vld [tilespmem:s26+$0x8020]  }
0x102: {  	v6 =	vld [tilespmem:s26+$0x8030]  }
0x103: {  	v7 =	vld [tilespmem:s26+$0x8040];
	v8 =	vand.u32 $0x1FF, v2  }
0x104: {  	v9 =	vand.u32 $0xFFFFFE00, v3;
	v10 =	vand.u32 $0x1FF, v3;
	v3 =	vld [tilespmem:s26+$0x70]  }
0x105: {  	v11 =	vand.u32 $0xFFFFFE00, v4;
	v12 =	vand.u32 $0x1FF, v4;
	v4 =	vld [tilespmem:s26+$0x8050]  }
0x106: {  	v13 =	vand.u32 $0xFFFFFE00, v5;
	v14 =	vand.u32 $0x1FF, v5;
	v15 =	vld [tilespmem:s26+$0x8060]  }
0x107: {  	v16 =	vld [tilespmem:s26+$0x0];
	v17 =	vand.u32 $0xFFFFFE00, v6;
	v18 =	vand.u32 $0x1FF, v6  }
0x108: {  	v19 =	vand.u32 $0xFFFFFE00, v7;
	v7 =	vand.u32 $0x1FF, v7;
	[tilespmem:v8+s15+$0x0] =	vst.idx.add.f32.msk $0xffff, v1  }
0x109: {  	v2 =	vand.u32 $0xFFFFFE00, v2;
	[tilespmem:v8+s16+$0x0] =	vst.idx.add.f32.msk $0xffff, v3  }
0x10a: {  	v6 =	vand.u32 $0xFFFFFE00, v4;
	v5 =	vand.u32 $0x1FF, v4;
	[tilespmem:v8+s17+$0x0] =	vst.idx.add.f32.msk $0xffff, v2  }
0x10b: {  	v8 =	vld [tilespmem:s26+$0x10];
	v3 =	vand.u32 $0xFFFFFE00, v15;
	v4 =	vand.u32 $0x1FF, v15  }
0x10c: {  	v15 =	vld [tilespmem:s26+$0x20]  }
0x10d: {  	v20 =	vld [tilespmem:s26+$0x30]  }
0x10e: {  	v21 =	vld [tilespmem:s26+$0x40]  }
0x10f: {  	v22 =	vld [tilespmem:s26+$0x50]  }
0x110: {  	v2 =	vld [tilespmem:s26+$0x60]  }
0x111: {  	[tilespmem:v10+s15+$0x0] =	vst.idx.add.f32.msk $0xffff, v1  }
0x112: {  	[tilespmem:v10+s16+$0x0] =	vst.idx.add.f32.msk $0xffff, v16  }
0x113: {  	[tilespmem:v10+s17+$0x0] =	vst.idx.add.f32.msk $0xffff, v9  }
0x114: {  	[tilespmem:v12+s15+$0x0] =	vst.idx.add.f32.msk $0xffff, v1  }
0x115: {  	[tilespmem:v12+s16+$0x0] =	vst.idx.add.f32.msk $0xffff, v8  }
0x116: {  	[tilespmem:v12+s17+$0x0] =	vst.idx.add.f32.msk $0xffff, v11  }
0x117: {  	[tilespmem:v14+s15+$0x0] =	vst.idx.add.f32.msk $0xffff, v1  }
0x118: {  	[tilespmem:v14+s16+$0x0] =	vst.idx.add.f32.msk $0xffff, v15  }
0x119: {  	[tilespmem:v14+s17+$0x0] =	vst.idx.add.f32.msk $0xffff, v13  }
0x11a: {  	[tilespmem:v18+s15+$0x0] =	vst.idx.add.f32.msk $0xffff, v1  }
0x11b: {  	[tilespmem:v18+s16+$0x0] =	vst.idx.add.f32.msk $0xffff, v20  }
0x11c: {  	[tilespmem:v18+s17+$0x0] =	vst.idx.add.f32.msk $0xffff, v17  }
.Ltmp1:
0x11d: {  	[tilespmem:v7+s15+$0x0] =	vst.idx.add.f32.msk $0xffff, v1;
	(pc) =	sbr.rel @p0 .LBB2_4-.Ltmp1, $4  }
0x11e: {  	[tilespmem:v7+s16+$0x0] =	vst.idx.add.f32.msk $0xffff, v21  }
0x11f: {  	[tilespmem:v7+s17+$0x0] =	vst.idx.add.f32.msk $0xffff, v19  }
0x120: {  	[tilespmem:v5+s15+$0x0] =	vst.idx.add.f32.msk $0xffff, v1  }
0x121: {  	[tilespmem:v5+s16+$0x0] =	vst.idx.add.f32.msk $0xffff, v22  }
0x122: {  	_ =	sdelay $0x3  }
0x123: {  	[tilespmem:v5+s17+$0x0] =	vst.idx.add.f32.msk $0xffff, v6  }
0x124: {  	[tilespmem:v4+s15+$0x0] =	vst.idx.add.f32.msk $0xffff, v1  }
0x125: {  	[tilespmem:v4+s16+$0x0] =	vst.idx.add.f32.msk $0xffff, v2  }
0x126: {  	[tilespmem:v4+s17+$0x0] =	vst.idx.add.f32.msk $0xffff, v3  }
0x127: {  	[hbm4b:s7+s19] =	stream.strided.scatter [tilespmem:s15], [sflag:$0x3], $0x200, s20, s19, $0x38;
	[tilespmem:$0x10600] =	vst v63  }
0x128: {  	_ =	swait.ge [sflag:s21], $0x200  }
0x129: {  	[sflag:s21] =	ssyncset.done $0x0  }
0x12a: {  	[sflag:s21] =	ssyncadd.s32 $0xFFFFFE00  }
0x12b: {  	[hbm4b:s8+s19] =	stream.strided.scatter [tilespmem:s16], [sflag:$0x3], $0x200, s20, s19, $0x38;
	[tilespmem:$0x10600] =	vst v63  }
0x12c: {  	s22 =	sadd.s32 $0x1, s22;
	_ =	swait.ge [sflag:s21], $0x200  }
0x12d: {  	p0 =	sne.s32 s22, s10;
	[sflag:s21] =	ssyncset.done $0x0  }
.Ltmp2:
0x12e: {  	[sflag:s21] =	ssyncadd.s32 $0xFFFFFE00;
	(pc) =	sbr.rel @p0 .LBB2_1-.Ltmp2, $4  }
0x12f: {  	[hbm4b:s9+s19] =	stream.strided.scatter [tilespmem:s17], [sflag:$0x3], $0x200, s20, s19, $0x38;
	[tilespmem:$0x10600] =	vst v63  }
0x130: {  	_ =	swait.ge [sflag:s21], $0x200  }
0x131: {  	[sflag:s21] =	ssyncset.done $0x0  }
0x132: {  	[sflag:s21] =	ssyncadd.s32 $0xFFFFFE00  }
0x133: {  	_ =	sfence.sel $0x180000  }
0x134: {  	[bflag:$0x0] =	sbarrier.arrive $0xFFFF  }
0x135: {  	p0 =	sne.s32 s2, $0x0;
	_ =	strace $0x90000047  }
0x136: {  	s0 =	sadd.s32 @!p0 $0x100000, s0;
	[bflag:$0x2] =	sbarrier.arrive $0xFFFF  }
0x137: {  	[sflag:s0] =	ssyncadd.tile.s32 @!p0 $0x1;
	_ =	shalt  }
.Lfunc_end2:
_tile_overlayer_lowered:
.L_overlay_start_2:
0x138: {  	(tag) =	ssettag $0x2  }
0x139: {  	s0 =	rddreg [dreg:$0x0];
	s2 =	stileid.u32  }
0x13a: {  	s1 =	rddreg [dreg:$0x1];
	p0 =	sne.s32 s2, $0x0  }
0x13b: {  	s3 =	rddreg [dreg:$0x2];
	[bflag:$0x3] =	sbarrier.arrive $0xFFFF;
	s2 =	simm.s32 @!p0 $0x1C03  }
0x13c: {  	[timem:s3], [sflag:s2] =	dma.local @!p0 [hbm:s0], s1  }
0x13d: {  	s0 =	simm.s32 @!p0 $0x3  }
0x13e: {  	_ =	swait.ge @!p0 [sflag:s0], s1  }
0x13f: {  	s1 =	ssub.s32 @!p0 $0x0, s1;
	[sflag:s0] =	ssyncset.done @!p0 $0x0  }
0x140: {  	[sflag:s0] =	ssyncadd.s32 @!p0 s1  }
0x141: {  	[bflag:$0x3] =	sbarrier.arrive $0xFFFF  }
0x142: {  	_ =	shalt  }

</sc_bundles>
